<compile_context>
chip_gen: v7x
topology: tpu7x:2x2x1
jax: 0.10.2.dev20260603
libtpu: 0.0.44.dev20260713+nightly
codegen_flags: <defaults>
</compile_context>

<pallas_src>
import functools

import jax
import jax.numpy as jnp
from jax import lax
from jax.experimental import pallas as pl
from jax.experimental.pallas import tpu as pltpu
from jax.experimental.pallas import tpu_sc as plsc

_NUM_BUCKETS = 100000
_LANES = 16
_IDX_CHUNK = 128
_N_CHUNKS = 4
_BM = 512


def _sc_hash_gather(ids_flat, prev_flat, table):
    T = ids_flat.shape[0]
    V, D = table.shape
    info = plsc.get_sparse_core_info()
    NC, NS = info.num_cores, info.num_subcores
    NW = NC * NS
    b_per_w = T // NW
    assert T % NW == 0 and b_per_w % _IDX_CHUNK == 0

    mesh = plsc.VectorSubcoreMesh(core_axis_name="c", subcore_axis_name="s")

    @functools.partial(
        pl.kernel,
        mesh=mesh,
        out_type=jax.ShapeDtypeStruct((T, D), jnp.float32),
        scratch_types=[
            pltpu.VMEM((b_per_w,), jnp.int32),
            pltpu.VMEM((b_per_w,), jnp.int32),
            pltpu.VMEM((b_per_w, D), jnp.float32),
            pltpu.SemaphoreType.DMA,
        ],
    )
    def k(ids_hbm, prev_hbm, table_hbm, out_hbm, cur_v, idx_v, rows_v, sem):
        wid = lax.axis_index("s") * NC + lax.axis_index("c")
        base = wid * b_per_w
        pltpu.sync_copy(ids_hbm.at[pl.ds(base, b_per_w)], cur_v)
        pltpu.sync_copy(prev_hbm.at[pl.ds(base, b_per_w)], idx_v)

        def body(i, carry):
            sl = pl.ds(i * _LANES, _LANES)
            idx_v[sl] = (idx_v[sl] * 1009 + cur_v[sl]) % _NUM_BUCKETS
            return carry

        lax.fori_loop(0, b_per_w // _LANES, body, 0)

        copies = []
        for j in range(b_per_w // _IDX_CHUNK):
            sl = pl.ds(j * _IDX_CHUNK, _IDX_CHUNK)
            copies.append(
                pltpu.async_copy(table_hbm.at[idx_v.at[sl]], rows_v.at[sl], sem)
            )
        for c in copies:
            c.wait()
        pltpu.sync_copy(rows_v, out_hbm.at[pl.ds(base, b_per_w)])

    return k(ids_flat, prev_flat, table)


def _tc_project_chunk(e_chunk, proj_w, prev_out, chunk_idx, T):
    T_c, D = e_chunk.shape
    M = proj_w.shape[0]
    nb = T_c // _BM
    off = chunk_idx * nb

    def mm(x_ref, w_ref, o_ref):
        o_ref[...] = lax.dot_general(
            x_ref[...], w_ref[...], (((1,), (1,)), ((), ())),
            preferred_element_type=jnp.float32,
        )

    out_spec = pl.BlockSpec((_BM, M), lambda i: (i + off, 0))
    out_shape = jax.ShapeDtypeStruct((T, M), jnp.float32)
    x_spec = pl.BlockSpec((_BM, D), lambda i: (i, 0))
    w_spec = pl.BlockSpec((M, D), lambda i: (0, 0))

    if prev_out is None:
        return pl.pallas_call(
            mm,
            grid=(nb,),
            in_specs=[x_spec, w_spec],
            out_specs=out_spec,
            out_shape=out_shape,
        )(e_chunk, proj_w)

    def mm_chain(p_ref, x_ref, w_ref, o_ref):
        mm(x_ref, w_ref, o_ref)

    return pl.pallas_call(
        mm_chain,
        grid=(nb,),
        in_specs=[pl.BlockSpec(memory_space=pl.ANY), x_spec, w_spec],
        out_specs=out_spec,
        out_shape=out_shape,
        input_output_aliases={0: 0},
    )(prev_out, e_chunk, proj_w)


def kernel(input_ids, embed_table, proj_w):
    B, S = input_ids.shape
    M = proj_w.shape[0]
    ids = input_ids.astype(jnp.int32)
    prev = jnp.pad(ids[:, :-1], ((0, 0), (1, 0)))
    T = B * S
    ids_f = ids.reshape(-1)
    prev_f = prev.reshape(-1)
    T_c = T // _N_CHUNKS

    e_chunks = []
    for c in range(_N_CHUNKS):
        sl = slice(c * T_c, (c + 1) * T_c)
        e_chunks.append(_sc_hash_gather(ids_f[sl], prev_f[sl], embed_table))

    out = None
    for c in range(_N_CHUNKS):
        out = _tc_project_chunk(e_chunks[c], proj_w, out, c, T)
    return out.reshape(B, S, M)

# --- scband reference (transcript-rebuilt; emitter-appended) ---
"""Pipeline reference for scband-bigram-hash-embedding-11811160064688 (READ-ONLY COPY).

The authoritative reference and input builder live on the scoring server;
editing this copy changes nothing except your own understanding.
"""

import jax, jax.numpy as jnp
import numpy as np

NUM_BUCKETS = 100000
EMBED_DIM = 128
MODEL_DIM = 2048
BATCH = 4
SEQ = 4096

def setup_inputs(seed: int = 0) -> dict:
    key = jax.random.key(seed)
    k1, k2, k3 = jax.random.split(key, 3)
    input_ids = jax.random.randint(k1, (BATCH, SEQ), 0, 50000, dtype=jnp.int64)
    embed_table = jax.random.normal(k2, (NUM_BUCKETS, EMBED_DIM), dtype=jnp.float32) * 0.01
    proj_w = jax.random.normal(k3, (MODEL_DIM, EMBED_DIM), dtype=jnp.float32) * 0.02
    return {"input_ids": input_ids, "embed_table": embed_table, "proj_w": proj_w}

def reference(input_ids, embed_table, proj_w):
    # prev_ids = left-pad input_ids[:, :-1] with 0
    prev_ids = jnp.pad(input_ids[:, :-1], ((0, 0), (1, 0)), constant_values=0)
    bigram_hash = (prev_ids * 1009 + input_ids) % NUM_BUCKETS
    e = jnp.take(embed_table, bigram_hash, axis=0)  # [B, S, embed_dim]
    out = jnp.einsum('bse,me->bsm', e, proj_w)       # F.linear: x @ W.T
    return out

if __name__ == "__main__":
    import jax
    _d = setup_inputs()
    print(jax.jit(kernel)(*tuple(_d.values())))

</pallas_src>

<mosaic_0001>
#map = affine_map<(d0, d1) -> (0)>
#map1 = affine_map<(d0, d1) -> (0, 0)>
module attributes {stable_mosaic.version = 14 : i64} {
  func.func @k(%arg0: i32, %arg1: i32, %arg2: memref<4096xi32, #tpu.memory_space<hbm>>, %arg3: memref<4096xi32, #tpu.memory_space<hbm>>, %arg4: memref<100000x128xf32, #tpu.memory_space<hbm>>, %arg5: memref<4096x128xf32, #tpu.memory_space<hbm>>, %arg6: memref<128xi32, #tpu.memory_space<vmem>>, %arg7: memref<128xi32, #tpu.memory_space<vmem>>, %arg8: memref<128x128xf32, #tpu.memory_space<vmem>>, %arg9: memref<!tpu.dma_semaphore, #tpu.memory_space<semaphore_mem>>) attributes {dimension_semantics = [#tpu.dimension_semantics<core_parallel>, #tpu.dimension_semantics<subcore_parallel>], iteration_bounds = array<i64: 2, 16>, scalar_prefetch = 0 : i64, scratch_operands = 4 : i64, tpu.core_type = #tpu.core_type<sc_vector_subcore>, window_params = [{transform_indices = #map}, {transform_indices = #map}, {transform_indices = #map1}, {transform_indices = #map1}]} {
    %mul3A = arith.constant 2 : i32
    %mul3A_0 = arith.muli %arg1, %mul3A : i32
    %add3A = arith.addi %mul3A_0, %arg0 : i32
    %mul3A_1 = arith.constant 128 : i32
    %mul3A_2 = arith.muli %add3A, %mul3A_1 : i32
    "tpu.region"() ({
      %run_scoped3A = tpu.sem_alloc : memref<!tpu.dma_semaphore, #tpu.memory_space<semaphore_mem>>
      %dma_start3A_22 = tpu.memref_slice %arg2[%mul3A_2] : memref<4096xi32, #tpu.memory_space<hbm>> -> memref<128xi32, #tpu.memory_space<hbm>>
      %dma_start3A_23 = tpu.memref_slice %arg2[%mul3A_2] : memref<4096xi32, #tpu.memory_space<hbm>> -> memref<128xi32, #tpu.memory_space<hbm>>
      tpu.enqueue_dma source(%dma_start3A_23 : memref<128xi32, #tpu.memory_space<hbm>>) target(%arg6 : memref<128xi32, #tpu.memory_space<vmem>>) target_semaphore(%run_scoped3A : memref<!tpu.dma_semaphore, #tpu.memory_space<semaphore_mem>>)
      %dma_wait3A_24 = tpu.memref_slice %arg2[%mul3A_2] : memref<4096xi32, #tpu.memory_space<hbm>> -> memref<128xi32, #tpu.memory_space<hbm>>
      %dma_wait3A_25 = tpu.memref_slice %arg2[%mul3A_2] : memref<4096xi32, #tpu.memory_space<hbm>> -> memref<128xi32, #tpu.memory_space<hbm>>
      tpu.wait_dma2 semaphore(%run_scoped3A : memref<!tpu.dma_semaphore, #tpu.memory_space<semaphore_mem>>) src(%dma_wait3A_25 : memref<128xi32, #tpu.memory_space<hbm>>) dst(%arg6 : memref<128xi32, #tpu.memory_space<vmem>>)
      tpu.yield
    }) : () -> ()
    "tpu.region"() ({
      %run_scoped3A = tpu.sem_alloc : memref<!tpu.dma_semaphore, #tpu.memory_space<semaphore_mem>>
      %dma_start3A_22 = tpu.memref_slice %arg3[%mul3A_2] : memref<4096xi32, #tpu.memory_space<hbm>> -> memref<128xi32, #tpu.memory_space<hbm>>
      %dma_start3A_23 = tpu.memref_slice %arg3[%mul3A_2] : memref<4096xi32, #tpu.memory_space<hbm>> -> memref<128xi32, #tpu.memory_space<hbm>>
      tpu.enqueue_dma source(%dma_start3A_23 : memref<128xi32, #tpu.memory_space<hbm>>) target(%arg7 : memref<128xi32, #tpu.memory_space<vmem>>) target_semaphore(%run_scoped3A : memref<!tpu.dma_semaphore, #tpu.memory_space<semaphore_mem>>)
      %dma_wait3A_24 = tpu.memref_slice %arg3[%mul3A_2] : memref<4096xi32, #tpu.memory_space<hbm>> -> memref<128xi32, #tpu.memory_space<hbm>>
      %dma_wait3A_25 = tpu.memref_slice %arg3[%mul3A_2] : memref<4096xi32, #tpu.memory_space<hbm>> -> memref<128xi32, #tpu.memory_space<hbm>>
      tpu.wait_dma2 semaphore(%run_scoped3A : memref<!tpu.dma_semaphore, #tpu.memory_space<semaphore_mem>>) src(%dma_wait3A_25 : memref<128xi32, #tpu.memory_space<hbm>>) dst(%arg7 : memref<128xi32, #tpu.memory_space<vmem>>)
      tpu.yield
    }) : () -> ()
    %scan3A = arith.constant 0 : i32
    %scan3A_3 = arith.constant 0 : i32
    %scan3A_4 = arith.constant 8 : i32
    %scan3A_5 = arith.addi %scan3A_3, %scan3A_4 : i32
    %scan3A_6 = arith.constant 1 : i32
    scf.for %scan3A_22 = %scan3A_3 to %scan3A_5 step %scan3A_6  : i32 {
      %mul3A_23 = arith.constant 16 : i32
      %mul3A_24 = arith.muli %scan3A_22, %mul3A_23 : i32
      %get3A = arith.index_cast %mul3A_24 : i32 to index
      %get3A_25 = tpu.vector_load %arg7[%get3A] {strides = array<i32>} : memref<128xi32, #tpu.memory_space<vmem>>, vector<16xi32>,
      %get3A_26 = vector.shape_cast %get3A_25 : vector<16xi32> to vector<16xi32>
      %mul3A_27 = arith.constant 1009 : i32
      %mul3A_28 = vector.broadcast %mul3A_27 : i32 to vector<16xi32>
      %mul3A_29 = arith.muli %get3A_26, %mul3A_28 : vector<16xi32>
      %get3A_30 = arith.index_cast %mul3A_24 : i32 to index
      %get3A_31 = tpu.vector_load %arg6[%get3A_30] {strides = array<i32>} : memref<128xi32, #tpu.memory_space<vmem>>, vector<16xi32>,
      %get3A_32 = vector.shape_cast %get3A_31 : vector<16xi32> to vector<16xi32>
      %add3A_33 = arith.addi %mul3A_29, %get3A_32 : vector<16xi32>
      %jit3A = arith.constant 100000 : i32
      %eq3A = arith.constant 0 : i32
      %eq3A_34 = arith.cmpi eq, %jit3A, %eq3A : i32
      %jit3A_35 = arith.constant 1 : i32
      %select_n3A = arith.select %eq3A_34, %jit3A_35, %jit3A : i32
      %rem3A = vector.broadcast %select_n3A : i32 to vector<16xi32>
      %rem3A_36 = arith.remsi %add3A_33, %rem3A : vector<16xi32>
      %ne3A = arith.constant 0 : i32
      %ne3A_37 = vector.broadcast %ne3A : i32 to vector<16xi32>
      %ne3A_38 = arith.cmpi ne, %rem3A_36, %ne3A_37 : vector<16xi32>
      %lt3A = arith.constant 0 : i32
      %lt3A_39 = vector.broadcast %lt3A : i32 to vector<16xi32>
      %lt3A_40 = arith.cmpi slt, %rem3A_36, %lt3A_39 : vector<16xi32>
      %lt3A_41 = arith.constant 0 : i32
      %lt3A_42 = arith.cmpi slt, %select_n3A, %lt3A_41 : i32
      %ne3A_43 = vector.broadcast %lt3A_42 : i1 to vector<16xi1>
      %ne3A_44 = vector.broadcast %ne3A_43 : vector<16xi1> to vector<16xi1>
      %ne3A_45 = arith.xori %lt3A_40, %ne3A_44 : vector<16xi1>
      %and3A = arith.andi %ne3A_45, %ne3A_38 : vector<16xi1>
      %add3A_46 = vector.broadcast %select_n3A : i32 to vector<16xi32>
      %add3A_47 = arith.addi %rem3A_36, %add3A_46 : vector<16xi32>
      %select_n3A_48 = arith.select %and3A, %add3A_47, %rem3A_36 : vector<16xi1>, vector<16xi32>
      %swap3A = arith.index_cast %mul3A_24 : i32 to index
      %swap3A_49 = tpu.vector_load %arg7[%swap3A] {strides = array<i32>} : memref<128xi32, #tpu.memory_space<vmem>>, vector<16xi32>,
      %swap3A_50 = vector.shape_cast %swap3A_49 : vector<16xi32> to vector<16xi32>
      %swap3A_51 = vector.shape_cast %select_n3A_48 : vector<16xi32> to vector<16xi32>
      tpu.vector_store %arg7[%swap3A], %swap3A_51 {strides = array<i32>} : memref<128xi32, #tpu.memory_space<vmem>>, vector<16xi32>,
    }
    %scan3A_7 = arith.constant 8 : i32
    %dma_start3A = arith.constant 0 : i32
    %dma_start3A_8 = arith.constant 0 : i32
    %dma_start3A_9 = tpu.memref_slice %arg8[%dma_start3A, %dma_start3A_8] : memref<128x128xf32, #tpu.memory_space<vmem>> -> memref<128x128xf32, #tpu.memory_space<vmem>>
    %dma_start3A_10 = arith.constant 0 : i32
    %dma_start3A_11 = tpu.memref_slice %arg7[%dma_start3A_10] : memref<128xi32, #tpu.memory_space<vmem>> -> memref<128xi32, #tpu.memory_space<vmem>>
    %dma_start3A_12 = arith.constant 0 : i32
    %dma_start3A_13 = arith.constant 0 : i32
    %dma_start3A_14 = tpu.memref_slice %arg4[%dma_start3A_12, %dma_start3A_13] : memref<100000x128xf32, #tpu.memory_space<hbm>> -> memref<100000x128xf32, #tpu.memory_space<hbm>>
    tpu.enqueue_indirect_dma source(%dma_start3A_14 : memref<100000x128xf32, #tpu.memory_space<hbm>>) target(%dma_start3A_9 : memref<128x128xf32, #tpu.memory_space<vmem>>) offsets(%dma_start3A_11 : memref<128xi32, #tpu.memory_space<vmem>>) semaphore(%arg9 : memref<!tpu.dma_semaphore, #tpu.memory_space<semaphore_mem>>)
    %dma_wait3A = arith.constant 0 : i32
    %dma_wait3A_15 = arith.constant 0 : i32
    %dma_wait3A_16 = tpu.memref_slice %arg8[%dma_wait3A, %dma_wait3A_15] : memref<128x128xf32, #tpu.memory_space<vmem>> -> memref<128x128xf32, #tpu.memory_space<vmem>>
    %dma_wait3A_17 = arith.constant 0 : i32
    %dma_wait3A_18 = tpu.memref_slice %arg7[%dma_wait3A_17] : memref<128xi32, #tpu.memory_space<vmem>> -> memref<128xi32, #tpu.memory_space<vmem>>
    %dma_wait3A_19 = arith.constant 0 : i32
    %dma_wait3A_20 = arith.constant 0 : i32
    %dma_wait3A_21 = tpu.memref_slice %arg4[%dma_wait3A_19, %dma_wait3A_20] : memref<100000x128xf32, #tpu.memory_space<hbm>> -> memref<100000x128xf32, #tpu.memory_space<hbm>>
    tpu.wait_indirect_dma semaphore(%arg9 : memref<!tpu.dma_semaphore, #tpu.memory_space<semaphore_mem>>) src(%dma_wait3A_21 : memref<100000x128xf32, #tpu.memory_space<hbm>>) dst(%dma_wait3A_16 : memref<128x128xf32, #tpu.memory_space<vmem>>)
    "tpu.region"() ({
      %run_scoped3A = tpu.sem_alloc : memref<!tpu.dma_semaphore, #tpu.memory_space<semaphore_mem>>
      %dma_start3A_22 = arith.constant 0 : i32
      %dma_start3A_23 = tpu.memref_slice %arg5[%mul3A_2, %dma_start3A_22] : memref<4096x128xf32, #tpu.memory_space<hbm>> -> memref<128x128xf32, #tpu.memory_space<hbm>>
      %dma_start3A_24 = arith.constant 0 : i32
      %dma_start3A_25 = tpu.memref_slice %arg5[%mul3A_2, %dma_start3A_24] : memref<4096x128xf32, #tpu.memory_space<hbm>> -> memref<128x128xf32, #tpu.memory_space<hbm>>
      tpu.enqueue_dma source(%arg8 : memref<128x128xf32, #tpu.memory_space<vmem>>) target(%dma_start3A_25 : memref<128x128xf32, #tpu.memory_space<hbm>>) target_semaphore(%run_scoped3A : memref<!tpu.dma_semaphore, #tpu.memory_space<semaphore_mem>>)
      %dma_wait3A_26 = arith.constant 0 : i32
      %dma_wait3A_27 = tpu.memref_slice %arg5[%mul3A_2, %dma_wait3A_26] : memref<4096x128xf32, #tpu.memory_space<hbm>> -> memref<128x128xf32, #tpu.memory_space<hbm>>
      %dma_wait3A_28 = arith.constant 0 : i32
      %dma_wait3A_29 = tpu.memref_slice %arg5[%mul3A_2, %dma_wait3A_28] : memref<4096x128xf32, #tpu.memory_space<hbm>> -> memref<128x128xf32, #tpu.memory_space<hbm>>
      tpu.wait_dma2 semaphore(%run_scoped3A : memref<!tpu.dma_semaphore, #tpu.memory_space<semaphore_mem>>) src(%arg8 : memref<128x128xf32, #tpu.memory_space<vmem>>) dst(%dma_wait3A_29 : memref<128x128xf32, #tpu.memory_space<hbm>>)
      tpu.yield
    }) : () -> ()
    return
  }
}

#map = affine_map<(d0, d1) -> (0)>
#map1 = affine_map<(d0, d1) -> (0, 0)>
module attributes {stable_mosaic.version = 14 : i64} {
  func.func @k(%arg0: i32, %arg1: i32, %arg2: memref<4096xi32, #tpu.memory_space<hbm>>, %arg3: memref<4096xi32, #tpu.memory_space<hbm>>, %arg4: memref<100000x128xf32, #tpu.memory_space<hbm>>, %arg5: memref<4096x128xf32, #tpu.memory_space<hbm>>, %arg6: memref<128xi32, #tpu.memory_space<vmem>>, %arg7: memref<128xi32, #tpu.memory_space<vmem>>, %arg8: memref<128x128xf32, #tpu.memory_space<vmem>>, %arg9: memref<!tpu.dma_semaphore, #tpu.memory_space<semaphore_mem>>) attributes {dimension_semantics = [#tpu.dimension_semantics<core_parallel>, #tpu.dimension_semantics<subcore_parallel>], iteration_bounds = array<i64: 2, 16>, scalar_prefetch = 0 : i64, scratch_operands = 4 : i64, tpu.core_type = #tpu.core_type<sc_vector_subcore>, window_params = [{transform_indices = #map}, {transform_indices = #map}, {transform_indices = #map1}, {transform_indices = #map1}]} {
    %mul3A = arith.constant 2 : i32
    %mul3A_0 = arith.muli %arg1, %mul3A : i32
    %add3A = arith.addi %mul3A_0, %arg0 : i32
    %mul3A_1 = arith.constant 128 : i32
    %mul3A_2 = arith.muli %add3A, %mul3A_1 : i32
    "tpu.region"() ({
      %run_scoped3A = tpu.sem_alloc : memref<!tpu.dma_semaphore, #tpu.memory_space<semaphore_mem>>
      %dma_start3A_22 = tpu.memref_slice %arg2[%mul3A_2] : memref<4096xi32, #tpu.memory_space<hbm>> -> memref<128xi32, #tpu.memory_space<hbm>>
      %dma_start3A_23 = tpu.memref_slice %arg2[%mul3A_2] : memref<4096xi32, #tpu.memory_space<hbm>> -> memref<128xi32, #tpu.memory_space<hbm>>
      tpu.enqueue_dma source(%dma_start3A_23 : memref<128xi32, #tpu.memory_space<hbm>>) target(%arg6 : memref<128xi32, #tpu.memory_space<vmem>>) target_semaphore(%run_scoped3A : memref<!tpu.dma_semaphore, #tpu.memory_space<semaphore_mem>>)
      %dma_wait3A_24 = tpu.memref_slice %arg2[%mul3A_2] : memref<4096xi32, #tpu.memory_space<hbm>> -> memref<128xi32, #tpu.memory_space<hbm>>
      %dma_wait3A_25 = tpu.memref_slice %arg2[%mul3A_2] : memref<4096xi32, #tpu.memory_space<hbm>> -> memref<128xi32, #tpu.memory_space<hbm>>
      tpu.wait_dma2 semaphore(%run_scoped3A : memref<!tpu.dma_semaphore, #tpu.memory_space<semaphore_mem>>) src(%dma_wait3A_25 : memref<128xi32, #tpu.memory_space<hbm>>) dst(%arg6 : memref<128xi32, #tpu.memory_space<vmem>>)
      tpu.yield
    }) : () -> ()
    "tpu.region"() ({
      %run_scoped3A = tpu.sem_alloc : memref<!tpu.dma_semaphore, #tpu.memory_space<semaphore_mem>>
      %dma_start3A_22 = tpu.memref_slice %arg3[%mul3A_2] : memref<4096xi32, #tpu.memory_space<hbm>> -> memref<128xi32, #tpu.memory_space<hbm>>
      %dma_start3A_23 = tpu.memref_slice %arg3[%mul3A_2] : memref<4096xi32, #tpu.memory_space<hbm>> -> memref<128xi32, #tpu.memory_space<hbm>>
      tpu.enqueue_dma source(%dma_start3A_23 : memref<128xi32, #tpu.memory_space<hbm>>) target(%arg7 : memref<128xi32, #tpu.memory_space<vmem>>) target_semaphore(%run_scoped3A : memref<!tpu.dma_semaphore, #tpu.memory_space<semaphore_mem>>)
      %dma_wait3A_24 = tpu.memref_slice %arg3[%mul3A_2] : memref<4096xi32, #tpu.memory_space<hbm>> -> memref<128xi32, #tpu.memory_space<hbm>>
      %dma_wait3A_25 = tpu.memref_slice %arg3[%mul3A_2] : memref<4096xi32, #tpu.memory_space<hbm>> -> memref<128xi32, #tpu.memory_space<hbm>>
      tpu.wait_dma2 semaphore(%run_scoped3A : memref<!tpu.dma_semaphore, #tpu.memory_space<semaphore_mem>>) src(%dma_wait3A_25 : memref<128xi32, #tpu.memory_space<hbm>>) dst(%arg7 : memref<128xi32, #tpu.memory_space<vmem>>)
      tpu.yield
    }) : () -> ()
    %scan3A = arith.constant 0 : i32
    %scan3A_3 = arith.constant 0 : i32
    %scan3A_4 = arith.constant 8 : i32
    %scan3A_5 = arith.addi %scan3A_3, %scan3A_4 : i32
    %scan3A_6 = arith.constant 1 : i32
    scf.for %scan3A_22 = %scan3A_3 to %scan3A_5 step %scan3A_6  : i32 {
      %mul3A_23 = arith.constant 16 : i32
      %mul3A_24 = arith.muli %scan3A_22, %mul3A_23 : i32
      %get3A = arith.index_cast %mul3A_24 : i32 to index
      %get3A_25 = tpu.vector_load %arg7[%get3A] {strides = array<i32>} : memref<128xi32, #tpu.memory_space<vmem>>, vector<16xi32>,
      %get3A_26 = vector.shape_cast %get3A_25 : vector<16xi32> to vector<16xi32>
      %mul3A_27 = arith.constant 1009 : i32
      %mul3A_28 = vector.broadcast %mul3A_27 : i32 to vector<16xi32>
      %mul3A_29 = arith.muli %get3A_26, %mul3A_28 : vector<16xi32>
      %get3A_30 = arith.index_cast %mul3A_24 : i32 to index
      %get3A_31 = tpu.vector_load %arg6[%get3A_30] {strides = array<i32>} : memref<128xi32, #tpu.memory_space<vmem>>, vector<16xi32>,
      %get3A_32 = vector.shape_cast %get3A_31 : vector<16xi32> to vector<16xi32>
      %add3A_33 = arith.addi %mul3A_29, %get3A_32 : vector<16xi32>
      %jit3A = arith.constant 100000 : i32
      %eq3A = arith.constant 0 : i32
      %eq3A_34 = arith.cmpi eq, %jit3A, %eq3A : i32
      %jit3A_35 = arith.constant 1 : i32
      %select_n3A = arith.select %eq3A_34, %jit3A_35, %jit3A : i32
      %rem3A = vector.broadcast %select_n3A : i32 to vector<16xi32>
      %rem3A_36 = arith.remsi %add3A_33, %rem3A : vector<16xi32>
      %ne3A = arith.constant 0 : i32
      %ne3A_37 = vector.broadcast %ne3A : i32 to vector<16xi32>
      %ne3A_38 = arith.cmpi ne, %rem3A_36, %ne3A_37 : vector<16xi32>
      %lt3A = arith.constant 0 : i32
      %lt3A_39 = vector.broadcast %lt3A : i32 to vector<16xi32>
      %lt3A_40 = arith.cmpi slt, %rem3A_36, %lt3A_39 : vector<16xi32>
      %lt3A_41 = arith.constant 0 : i32
      %lt3A_42 = arith.cmpi slt, %select_n3A, %lt3A_41 : i32
      %ne3A_43 = vector.broadcast %lt3A_42 : i1 to vector<16xi1>
      %ne3A_44 = vector.broadcast %ne3A_43 : vector<16xi1> to vector<16xi1>
      %ne3A_45 = arith.xori %lt3A_40, %ne3A_44 : vector<16xi1>
      %and3A = arith.andi %ne3A_45, %ne3A_38 : vector<16xi1>
      %add3A_46 = vector.broadcast %select_n3A : i32 to vector<16xi32>
      %add3A_47 = arith.addi %rem3A_36, %add3A_46 : vector<16xi32>
      %select_n3A_48 = arith.select %and3A, %add3A_47, %rem3A_36 : vector<16xi1>, vector<16xi32>
      %swap3A = arith.index_cast %mul3A_24 : i32 to index
      %swap3A_49 = tpu.vector_load %arg7[%swap3A] {strides = array<i32>} : memref<128xi32, #tpu.memory_space<vmem>>, vector<16xi32>,
      %swap3A_50 = vector.shape_cast %swap3A_49 : vector<16xi32> to vector<16xi32>
      %swap3A_51 = vector.shape_cast %select_n3A_48 : vector<16xi32> to vector<16xi32>
      tpu.vector_store %arg7[%swap3A], %swap3A_51 {strides = array<i32>} : memref<128xi32, #tpu.memory_space<vmem>>, vector<16xi32>,
    }
    %scan3A_7 = arith.constant 8 : i32
    %dma_start3A = arith.constant 0 : i32
    %dma_start3A_8 = arith.constant 0 : i32
    %dma_start3A_9 = tpu.memref_slice %arg8[%dma_start3A, %dma_start3A_8] : memref<128x128xf32, #tpu.memory_space<vmem>> -> memref<128x128xf32, #tpu.memory_space<vmem>>
    %dma_start3A_10 = arith.constant 0 : i32
    %dma_start3A_11 = tpu.memref_slice %arg7[%dma_start3A_10] : memref<128xi32, #tpu.memory_space<vmem>> -> memref<128xi32, #tpu.memory_space<vmem>>
    %dma_start3A_12 = arith.constant 0 : i32
    %dma_start3A_13 = arith.constant 0 : i32
    %dma_start3A_14 = tpu.memref_slice %arg4[%dma_start3A_12, %dma_start3A_13] : memref<100000x128xf32, #tpu.memory_space<hbm>> -> memref<100000x128xf32, #tpu.memory_space<hbm>>
    tpu.enqueue_indirect_dma source(%dma_start3A_14 : memref<100000x128xf32, #tpu.memory_space<hbm>>) target(%dma_start3A_9 : memref<128x128xf32, #tpu.memory_space<vmem>>) offsets(%dma_start3A_11 : memref<128xi32, #tpu.memory_space<vmem>>) semaphore(%arg9 : memref<!tpu.dma_semaphore, #tpu.memory_space<semaphore_mem>>)
    %dma_wait3A = arith.constant 0 : i32
    %dma_wait3A_15 = arith.constant 0 : i32
    %dma_wait3A_16 = tpu.memref_slice %arg8[%dma_wait3A, %dma_wait3A_15] : memref<128x128xf32, #tpu.memory_space<vmem>> -> memref<128x128xf32, #tpu.memory_space<vmem>>
    %dma_wait3A_17 = arith.constant 0 : i32
    %dma_wait3A_18 = tpu.memref_slice %arg7[%dma_wait3A_17] : memref<128xi32, #tpu.memory_space<vmem>> -> memref<128xi32, #tpu.memory_space<vmem>>
    %dma_wait3A_19 = arith.constant 0 : i32
    %dma_wait3A_20 = arith.constant 0 : i32
    %dma_wait3A_21 = tpu.memref_slice %arg4[%dma_wait3A_19, %dma_wait3A_20] : memref<100000x128xf32, #tpu.memory_space<hbm>> -> memref<100000x128xf32, #tpu.memory_space<hbm>>
    tpu.wait_indirect_dma semaphore(%arg9 : memref<!tpu.dma_semaphore, #tpu.memory_space<semaphore_mem>>) src(%dma_wait3A_21 : memref<100000x128xf32, #tpu.memory_space<hbm>>) dst(%dma_wait3A_16 : memref<128x128xf32, #tpu.memory_space<vmem>>)
    "tpu.region"() ({
      %run_scoped3A = tpu.sem_alloc : memref<!tpu.dma_semaphore, #tpu.memory_space<semaphore_mem>>
      %dma_start3A_22 = arith.constant 0 : i32
      %dma_start3A_23 = tpu.memref_slice %arg5[%mul3A_2, %dma_start3A_22] : memref<4096x128xf32, #tpu.memory_space<hbm>> -> memref<128x128xf32, #tpu.memory_space<hbm>>
      %dma_start3A_24 = arith.constant 0 : i32
      %dma_start3A_25 = tpu.memref_slice %arg5[%mul3A_2, %dma_start3A_24] : memref<4096x128xf32, #tpu.memory_space<hbm>> -> memref<128x128xf32, #tpu.memory_space<hbm>>
      tpu.enqueue_dma source(%arg8 : memref<128x128xf32, #tpu.memory_space<vmem>>) target(%dma_start3A_25 : memref<128x128xf32, #tpu.memory_space<hbm>>) target_semaphore(%run_scoped3A : memref<!tpu.dma_semaphore, #tpu.memory_space<semaphore_mem>>)
      %dma_wait3A_26 = arith.constant 0 : i32
      %dma_wait3A_27 = tpu.memref_slice %arg5[%mul3A_2, %dma_wait3A_26] : memref<4096x128xf32, #tpu.memory_space<hbm>> -> memref<128x128xf32, #tpu.memory_space<hbm>>
      %dma_wait3A_28 = arith.constant 0 : i32
      %dma_wait3A_29 = tpu.memref_slice %arg5[%mul3A_2, %dma_wait3A_28] : memref<4096x128xf32, #tpu.memory_space<hbm>> -> memref<128x128xf32, #tpu.memory_space<hbm>>
      tpu.wait_dma2 semaphore(%run_scoped3A : memref<!tpu.dma_semaphore, #tpu.memory_space<semaphore_mem>>) src(%arg8 : memref<128x128xf32, #tpu.memory_space<vmem>>) dst(%dma_wait3A_29 : memref<128x128xf32, #tpu.memory_space<hbm>>)
      tpu.yield
    }) : () -> ()
    return
  }
}

#map = affine_map<(d0, d1) -> (0)>
#map1 = affine_map<(d0, d1) -> (0, 0)>
module attributes {stable_mosaic.version = 14 : i64} {
  func.func @k(%arg0: i32, %arg1: i32, %arg2: memref<4096xi32, #tpu.memory_space<hbm>>, %arg3: memref<4096xi32, #tpu.memory_space<hbm>>, %arg4: memref<100000x128xf32, #tpu.memory_space<hbm>>, %arg5: memref<4096x128xf32, #tpu.memory_space<hbm>>, %arg6: memref<128xi32, #tpu.memory_space<vmem>>, %arg7: memref<128xi32, #tpu.memory_space<vmem>>, %arg8: memref<128x128xf32, #tpu.memory_space<vmem>>, %arg9: memref<!tpu.dma_semaphore, #tpu.memory_space<semaphore_mem>>) attributes {dimension_semantics = [#tpu.dimension_semantics<core_parallel>, #tpu.dimension_semantics<subcore_parallel>], iteration_bounds = array<i64: 2, 16>, scalar_prefetch = 0 : i64, scratch_operands = 4 : i64, tpu.core_type = #tpu.core_type<sc_vector_subcore>, window_params = [{transform_indices = #map}, {transform_indices = #map}, {transform_indices = #map1}, {transform_indices = #map1}]} {
    %mul3A = arith.constant 2 : i32
    %mul3A_0 = arith.muli %arg1, %mul3A : i32
    %add3A = arith.addi %mul3A_0, %arg0 : i32
    %mul3A_1 = arith.constant 128 : i32
    %mul3A_2 = arith.muli %add3A, %mul3A_1 : i32
    "tpu.region"() ({
      %run_scoped3A = tpu.sem_alloc : memref<!tpu.dma_semaphore, #tpu.memory_space<semaphore_mem>>
      %dma_start3A_22 = tpu.memref_slice %arg2[%mul3A_2] : memref<4096xi32, #tpu.memory_space<hbm>> -> memref<128xi32, #tpu.memory_space<hbm>>
      %dma_start3A_23 = tpu.memref_slice %arg2[%mul3A_2] : memref<4096xi32, #tpu.memory_space<hbm>> -> memref<128xi32, #tpu.memory_space<hbm>>
      tpu.enqueue_dma source(%dma_start3A_23 : memref<128xi32, #tpu.memory_space<hbm>>) target(%arg6 : memref<128xi32, #tpu.memory_space<vmem>>) target_semaphore(%run_scoped3A : memref<!tpu.dma_semaphore, #tpu.memory_space<semaphore_mem>>)
      %dma_wait3A_24 = tpu.memref_slice %arg2[%mul3A_2] : memref<4096xi32, #tpu.memory_space<hbm>> -> memref<128xi32, #tpu.memory_space<hbm>>
      %dma_wait3A_25 = tpu.memref_slice %arg2[%mul3A_2] : memref<4096xi32, #tpu.memory_space<hbm>> -> memref<128xi32, #tpu.memory_space<hbm>>
      tpu.wait_dma2 semaphore(%run_scoped3A : memref<!tpu.dma_semaphore, #tpu.memory_space<semaphore_mem>>) src(%dma_wait3A_25 : memref<128xi32, #tpu.memory_space<hbm>>) dst(%arg6 : memref<128xi32, #tpu.memory_space<vmem>>)
      tpu.yield
    }) : () -> ()
    "tpu.region"() ({
      %run_scoped3A = tpu.sem_alloc : memref<!tpu.dma_semaphore, #tpu.memory_space<semaphore_mem>>
      %dma_start3A_22 = tpu.memref_slice %arg3[%mul3A_2] : memref<4096xi32, #tpu.memory_space<hbm>> -> memref<128xi32, #tpu.memory_space<hbm>>
      %dma_start3A_23 = tpu.memref_slice %arg3[%mul3A_2] : memref<4096xi32, #tpu.memory_space<hbm>> -> memref<128xi32, #tpu.memory_space<hbm>>
      tpu.enqueue_dma source(%dma_start3A_23 : memref<128xi32, #tpu.memory_space<hbm>>) target(%arg7 : memref<128xi32, #tpu.memory_space<vmem>>) target_semaphore(%run_scoped3A : memref<!tpu.dma_semaphore, #tpu.memory_space<semaphore_mem>>)
      %dma_wait3A_24 = tpu.memref_slice %arg3[%mul3A_2] : memref<4096xi32, #tpu.memory_space<hbm>> -> memref<128xi32, #tpu.memory_space<hbm>>
      %dma_wait3A_25 = tpu.memref_slice %arg3[%mul3A_2] : memref<4096xi32, #tpu.memory_space<hbm>> -> memref<128xi32, #tpu.memory_space<hbm>>
      tpu.wait_dma2 semaphore(%run_scoped3A : memref<!tpu.dma_semaphore, #tpu.memory_space<semaphore_mem>>) src(%dma_wait3A_25 : memref<128xi32, #tpu.memory_space<hbm>>) dst(%arg7 : memref<128xi32, #tpu.memory_space<vmem>>)
      tpu.yield
    }) : () -> ()
    %scan3A = arith.constant 0 : i32
    %scan3A_3 = arith.constant 0 : i32
    %scan3A_4 = arith.constant 8 : i32
    %scan3A_5 = arith.addi %scan3A_3, %scan3A_4 : i32
    %scan3A_6 = arith.constant 1 : i32
    scf.for %scan3A_22 = %scan3A_3 to %scan3A_5 step %scan3A_6  : i32 {
      %mul3A_23 = arith.constant 16 : i32
      %mul3A_24 = arith.muli %scan3A_22, %mul3A_23 : i32
      %get3A = arith.index_cast %mul3A_24 : i32 to index
      %get3A_25 = tpu.vector_load %arg7[%get3A] {strides = array<i32>} : memref<128xi32, #tpu.memory_space<vmem>>, vector<16xi32>,
      %get3A_26 = vector.shape_cast %get3A_25 : vector<16xi32> to vector<16xi32>
      %mul3A_27 = arith.constant 1009 : i32
      %mul3A_28 = vector.broadcast %mul3A_27 : i32 to vector<16xi32>
      %mul3A_29 = arith.muli %get3A_26, %mul3A_28 : vector<16xi32>
      %get3A_30 = arith.index_cast %mul3A_24 : i32 to index
      %get3A_31 = tpu.vector_load %arg6[%get3A_30] {strides = array<i32>} : memref<128xi32, #tpu.memory_space<vmem>>, vector<16xi32>,
      %get3A_32 = vector.shape_cast %get3A_31 : vector<16xi32> to vector<16xi32>
      %add3A_33 = arith.addi %mul3A_29, %get3A_32 : vector<16xi32>
      %jit3A = arith.constant 100000 : i32
      %eq3A = arith.constant 0 : i32
      %eq3A_34 = arith.cmpi eq, %jit3A, %eq3A : i32
      %jit3A_35 = arith.constant 1 : i32
      %select_n3A = arith.select %eq3A_34, %jit3A_35, %jit3A : i32
      %rem3A = vector.broadcast %select_n3A : i32 to vector<16xi32>
      %rem3A_36 = arith.remsi %add3A_33, %rem3A : vector<16xi32>
      %ne3A = arith.constant 0 : i32
      %ne3A_37 = vector.broadcast %ne3A : i32 to vector<16xi32>
      %ne3A_38 = arith.cmpi ne, %rem3A_36, %ne3A_37 : vector<16xi32>
      %lt3A = arith.constant 0 : i32
      %lt3A_39 = vector.broadcast %lt3A : i32 to vector<16xi32>
      %lt3A_40 = arith.cmpi slt, %rem3A_36, %lt3A_39 : vector<16xi32>
      %lt3A_41 = arith.constant 0 : i32
      %lt3A_42 = arith.cmpi slt, %select_n3A, %lt3A_41 : i32
      %ne3A_43 = vector.broadcast %lt3A_42 : i1 to vector<16xi1>
      %ne3A_44 = vector.broadcast %ne3A_43 : vector<16xi1> to vector<16xi1>
      %ne3A_45 = arith.xori %lt3A_40, %ne3A_44 : vector<16xi1>
      %and3A = arith.andi %ne3A_45, %ne3A_38 : vector<16xi1>
      %add3A_46 = vector.broadcast %select_n3A : i32 to vector<16xi32>
      %add3A_47 = arith.addi %rem3A_36, %add3A_46 : vector<16xi32>
      %select_n3A_48 = arith.select %and3A, %add3A_47, %rem3A_36 : vector<16xi1>, vector<16xi32>
      %swap3A = arith.index_cast %mul3A_24 : i32 to index
      %swap3A_49 = tpu.vector_load %arg7[%swap3A] {strides = array<i32>} : memref<128xi32, #tpu.memory_space<vmem>>, vector<16xi32>,
      %swap3A_50 = vector.shape_cast %swap3A_49 : vector<16xi32> to vector<16xi32>
      %swap3A_51 = vector.shape_cast %select_n3A_48 : vector<16xi32> to vector<16xi32>
      tpu.vector_store %arg7[%swap3A], %swap3A_51 {strides = array<i32>} : memref<128xi32, #tpu.memory_space<vmem>>, vector<16xi32>,
    }
    %scan3A_7 = arith.constant 8 : i32
    %dma_start3A = arith.constant 0 : i32
    %dma_start3A_8 = arith.constant 0 : i32
    %dma_start3A_9 = tpu.memref_slice %arg8[%dma_start3A, %dma_start3A_8] : memref<128x128xf32, #tpu.memory_space<vmem>> -> memref<128x128xf32, #tpu.memory_space<vmem>>
    %dma_start3A_10 = arith.constant 0 : i32
    %dma_start3A_11 = tpu.memref_slice %arg7[%dma_start3A_10] : memref<128xi32, #tpu.memory_space<vmem>> -> memref<128xi32, #tpu.memory_space<vmem>>
    %dma_start3A_12 = arith.constant 0 : i32
    %dma_start3A_13 = arith.constant 0 : i32
    %dma_start3A_14 = tpu.memref_slice %arg4[%dma_start3A_12, %dma_start3A_13] : memref<100000x128xf32, #tpu.memory_space<hbm>> -> memref<100000x128xf32, #tpu.memory_space<hbm>>
    tpu.enqueue_indirect_dma source(%dma_start3A_14 : memref<100000x128xf32, #tpu.memory_space<hbm>>) target(%dma_start3A_9 : memref<128x128xf32, #tpu.memory_space<vmem>>) offsets(%dma_start3A_11 : memref<128xi32, #tpu.memory_space<vmem>>) semaphore(%arg9 : memref<!tpu.dma_semaphore, #tpu.memory_space<semaphore_mem>>)
    %dma_wait3A = arith.constant 0 : i32
    %dma_wait3A_15 = arith.constant 0 : i32
    %dma_wait3A_16 = tpu.memref_slice %arg8[%dma_wait3A, %dma_wait3A_15] : memref<128x128xf32, #tpu.memory_space<vmem>> -> memref<128x128xf32, #tpu.memory_space<vmem>>
    %dma_wait3A_17 = arith.constant 0 : i32
    %dma_wait3A_18 = tpu.memref_slice %arg7[%dma_wait3A_17] : memref<128xi32, #tpu.memory_space<vmem>> -> memref<128xi32, #tpu.memory_space<vmem>>
    %dma_wait3A_19 = arith.constant 0 : i32
    %dma_wait3A_20 = arith.constant 0 : i32
    %dma_wait3A_21 = tpu.memref_slice %arg4[%dma_wait3A_19, %dma_wait3A_20] : memref<100000x128xf32, #tpu.memory_space<hbm>> -> memref<100000x128xf32, #tpu.memory_space<hbm>>
    tpu.wait_indirect_dma semaphore(%arg9 : memref<!tpu.dma_semaphore, #tpu.memory_space<semaphore_mem>>) src(%dma_wait3A_21 : memref<100000x128xf32, #tpu.memory_space<hbm>>) dst(%dma_wait3A_16 : memref<128x128xf32, #tpu.memory_space<vmem>>)
    "tpu.region"() ({
      %run_scoped3A = tpu.sem_alloc : memref<!tpu.dma_semaphore, #tpu.memory_space<semaphore_mem>>
      %dma_start3A_22 = arith.constant 0 : i32
      %dma_start3A_23 = tpu.memref_slice %arg5[%mul3A_2, %dma_start3A_22] : memref<4096x128xf32, #tpu.memory_space<hbm>> -> memref<128x128xf32, #tpu.memory_space<hbm>>
      %dma_start3A_24 = arith.constant 0 : i32
      %dma_start3A_25 = tpu.memref_slice %arg5[%mul3A_2, %dma_start3A_24] : memref<4096x128xf32, #tpu.memory_space<hbm>> -> memref<128x128xf32, #tpu.memory_space<hbm>>
      tpu.enqueue_dma source(%arg8 : memref<128x128xf32, #tpu.memory_space<vmem>>) target(%dma_start3A_25 : memref<128x128xf32, #tpu.memory_space<hbm>>) target_semaphore(%run_scoped3A : memref<!tpu.dma_semaphore, #tpu.memory_space<semaphore_mem>>)
      %dma_wait3A_26 = arith.constant 0 : i32
      %dma_wait3A_27 = tpu.memref_slice %arg5[%mul3A_2, %dma_wait3A_26] : memref<4096x128xf32, #tpu.memory_space<hbm>> -> memref<128x128xf32, #tpu.memory_space<hbm>>
      %dma_wait3A_28 = arith.constant 0 : i32
      %dma_wait3A_29 = tpu.memref_slice %arg5[%mul3A_2, %dma_wait3A_28] : memref<4096x128xf32, #tpu.memory_space<hbm>> -> memref<128x128xf32, #tpu.memory_space<hbm>>
      tpu.wait_dma2 semaphore(%run_scoped3A : memref<!tpu.dma_semaphore, #tpu.memory_space<semaphore_mem>>) src(%arg8 : memref<128x128xf32, #tpu.memory_space<vmem>>) dst(%dma_wait3A_29 : memref<128x128xf32, #tpu.memory_space<hbm>>)
      tpu.yield
    }) : () -> ()
    return
  }
}

#map = affine_map<(d0, d1) -> (0)>
#map1 = affine_map<(d0, d1) -> (0, 0)>
module attributes {stable_mosaic.version = 14 : i64} {
  func.func @k(%arg0: i32, %arg1: i32, %arg2: memref<4096xi32, #tpu.memory_space<hbm>>, %arg3: memref<4096xi32, #tpu.memory_space<hbm>>, %arg4: memref<100000x128xf32, #tpu.memory_space<hbm>>, %arg5: memref<4096x128xf32, #tpu.memory_space<hbm>>, %arg6: memref<128xi32, #tpu.memory_space<vmem>>, %arg7: memref<128xi32, #tpu.memory_space<vmem>>, %arg8: memref<128x128xf32, #tpu.memory_space<vmem>>, %arg9: memref<!tpu.dma_semaphore, #tpu.memory_space<semaphore_mem>>) attributes {dimension_semantics = [#tpu.dimension_semantics<core_parallel>, #tpu.dimension_semantics<subcore_parallel>], iteration_bounds = array<i64: 2, 16>, scalar_prefetch = 0 : i64, scratch_operands = 4 : i64, tpu.core_type = #tpu.core_type<sc_vector_subcore>, window_params = [{transform_indices = #map}, {transform_indices = #map}, {transform_indices = #map1}, {transform_indices = #map1}]} {
    %mul3A = arith.constant 2 : i32
    %mul3A_0 = arith.muli %arg1, %mul3A : i32
    %add3A = arith.addi %mul3A_0, %arg0 : i32
    %mul3A_1 = arith.constant 128 : i32
    %mul3A_2 = arith.muli %add3A, %mul3A_1 : i32
    "tpu.region"() ({
      %run_scoped3A = tpu.sem_alloc : memref<!tpu.dma_semaphore, #tpu.memory_space<semaphore_mem>>
      %dma_start3A_22 = tpu.memref_slice %arg2[%mul3A_2] : memref<4096xi32, #tpu.memory_space<hbm>> -> memref<128xi32, #tpu.memory_space<hbm>>
      %dma_start3A_23 = tpu.memref_slice %arg2[%mul3A_2] : memref<4096xi32, #tpu.memory_space<hbm>> -> memref<128xi32, #tpu.memory_space<hbm>>
      tpu.enqueue_dma source(%dma_start3A_23 : memref<128xi32, #tpu.memory_space<hbm>>) target(%arg6 : memref<128xi32, #tpu.memory_space<vmem>>) target_semaphore(%run_scoped3A : memref<!tpu.dma_semaphore, #tpu.memory_space<semaphore_mem>>)
      %dma_wait3A_24 = tpu.memref_slice %arg2[%mul3A_2] : memref<4096xi32, #tpu.memory_space<hbm>> -> memref<128xi32, #tpu.memory_space<hbm>>
      %dma_wait3A_25 = tpu.memref_slice %arg2[%mul3A_2] : memref<4096xi32, #tpu.memory_space<hbm>> -> memref<128xi32, #tpu.memory_space<hbm>>
      tpu.wait_dma2 semaphore(%run_scoped3A : memref<!tpu.dma_semaphore, #tpu.memory_space<semaphore_mem>>) src(%dma_wait3A_25 : memref<128xi32, #tpu.memory_space<hbm>>) dst(%arg6 : memref<128xi32, #tpu.memory_space<vmem>>)
      tpu.yield
    }) : () -> ()
    "tpu.region"() ({
      %run_scoped3A = tpu.sem_alloc : memref<!tpu.dma_semaphore, #tpu.memory_space<semaphore_mem>>
      %dma_start3A_22 = tpu.memref_slice %arg3[%mul3A_2] : memref<4096xi32, #tpu.memory_space<hbm>> -> memref<128xi32, #tpu.memory_space<hbm>>
      %dma_start3A_23 = tpu.memref_slice %arg3[%mul3A_2] : memref<4096xi32, #tpu.memory_space<hbm>> -> memref<128xi32, #tpu.memory_space<hbm>>
      tpu.enqueue_dma source(%dma_start3A_23 : memref<128xi32, #tpu.memory_space<hbm>>) target(%arg7 : memref<128xi32, #tpu.memory_space<vmem>>) target_semaphore(%run_scoped3A : memref<!tpu.dma_semaphore, #tpu.memory_space<semaphore_mem>>)
      %dma_wait3A_24 = tpu.memref_slice %arg3[%mul3A_2] : memref<4096xi32, #tpu.memory_space<hbm>> -> memref<128xi32, #tpu.memory_space<hbm>>
      %dma_wait3A_25 = tpu.memref_slice %arg3[%mul3A_2] : memref<4096xi32, #tpu.memory_space<hbm>> -> memref<128xi32, #tpu.memory_space<hbm>>
      tpu.wait_dma2 semaphore(%run_scoped3A : memref<!tpu.dma_semaphore, #tpu.memory_space<semaphore_mem>>) src(%dma_wait3A_25 : memref<128xi32, #tpu.memory_space<hbm>>) dst(%arg7 : memref<128xi32, #tpu.memory_space<vmem>>)
      tpu.yield
    }) : () -> ()
    %scan3A = arith.constant 0 : i32
    %scan3A_3 = arith.constant 0 : i32
    %scan3A_4 = arith.constant 8 : i32
    %scan3A_5 = arith.addi %scan3A_3, %scan3A_4 : i32
    %scan3A_6 = arith.constant 1 : i32
    scf.for %scan3A_22 = %scan3A_3 to %scan3A_5 step %scan3A_6  : i32 {
      %mul3A_23 = arith.constant 16 : i32
      %mul3A_24 = arith.muli %scan3A_22, %mul3A_23 : i32
      %get3A = arith.index_cast %mul3A_24 : i32 to index
      %get3A_25 = tpu.vector_load %arg7[%get3A] {strides = array<i32>} : memref<128xi32, #tpu.memory_space<vmem>>, vector<16xi32>,
      %get3A_26 = vector.shape_cast %get3A_25 : vector<16xi32> to vector<16xi32>
      %mul3A_27 = arith.constant 1009 : i32
      %mul3A_28 = vector.broadcast %mul3A_27 : i32 to vector<16xi32>
      %mul3A_29 = arith.muli %get3A_26, %mul3A_28 : vector<16xi32>
      %get3A_30 = arith.index_cast %mul3A_24 : i32 to index
      %get3A_31 = tpu.vector_load %arg6[%get3A_30] {strides = array<i32>} : memref<128xi32, #tpu.memory_space<vmem>>, vector<16xi32>,
      %get3A_32 = vector.shape_cast %get3A_31 : vector<16xi32> to vector<16xi32>
      %add3A_33 = arith.addi %mul3A_29, %get3A_32 : vector<16xi32>
      %jit3A = arith.constant 100000 : i32
      %eq3A = arith.constant 0 : i32
      %eq3A_34 = arith.cmpi eq, %jit3A, %eq3A : i32
      %jit3A_35 = arith.constant 1 : i32
      %select_n3A = arith.select %eq3A_34, %jit3A_35, %jit3A : i32
      %rem3A = vector.broadcast %select_n3A : i32 to vector<16xi32>
      %rem3A_36 = arith.remsi %add3A_33, %rem3A : vector<16xi32>
      %ne3A = arith.constant 0 : i32
      %ne3A_37 = vector.broadcast %ne3A : i32 to vector<16xi32>
      %ne3A_38 = arith.cmpi ne, %rem3A_36, %ne3A_37 : vector<16xi32>
      %lt3A = arith.constant 0 : i32
      %lt3A_39 = vector.broadcast %lt3A : i32 to vector<16xi32>
      %lt3A_40 = arith.cmpi slt, %rem3A_36, %lt3A_39 : vector<16xi32>
      %lt3A_41 = arith.constant 0 : i32
      %lt3A_42 = arith.cmpi slt, %select_n3A, %lt3A_41 : i32
      %ne3A_43 = vector.broadcast %lt3A_42 : i1 to vector<16xi1>
      %ne3A_44 = vector.broadcast %ne3A_43 : vector<16xi1> to vector<16xi1>
      %ne3A_45 = arith.xori %lt3A_40, %ne3A_44 : vector<16xi1>
      %and3A = arith.andi %ne3A_45, %ne3A_38 : vector<16xi1>
      %add3A_46 = vector.broadcast %select_n3A : i32 to vector<16xi32>
      %add3A_47 = arith.addi %rem3A_36, %add3A_46 : vector<16xi32>
      %select_n3A_48 = arith.select %and3A, %add3A_47, %rem3A_36 : vector<16xi1>, vector<16xi32>
      %swap3A = arith.index_cast %mul3A_24 : i32 to index
      %swap3A_49 = tpu.vector_load %arg7[%swap3A] {strides = array<i32>} : memref<128xi32, #tpu.memory_space<vmem>>, vector<16xi32>,
      %swap3A_50 = vector.shape_cast %swap3A_49 : vector<16xi32> to vector<16xi32>
      %swap3A_51 = vector.shape_cast %select_n3A_48 : vector<16xi32> to vector<16xi32>
      tpu.vector_store %arg7[%swap3A], %swap3A_51 {strides = array<i32>} : memref<128xi32, #tpu.memory_space<vmem>>, vector<16xi32>,
    }
    %scan3A_7 = arith.constant 8 : i32
    %dma_start3A = arith.constant 0 : i32
    %dma_start3A_8 = arith.constant 0 : i32
    %dma_start3A_9 = tpu.memref_slice %arg8[%dma_start3A, %dma_start3A_8] : memref<128x128xf32, #tpu.memory_space<vmem>> -> memref<128x128xf32, #tpu.memory_space<vmem>>
    %dma_start3A_10 = arith.constant 0 : i32
    %dma_start3A_11 = tpu.memref_slice %arg7[%dma_start3A_10] : memref<128xi32, #tpu.memory_space<vmem>> -> memref<128xi32, #tpu.memory_space<vmem>>
    %dma_start3A_12 = arith.constant 0 : i32
    %dma_start3A_13 = arith.constant 0 : i32
    %dma_start3A_14 = tpu.memref_slice %arg4[%dma_start3A_12, %dma_start3A_13] : memref<100000x128xf32, #tpu.memory_space<hbm>> -> memref<100000x128xf32, #tpu.memory_space<hbm>>
    tpu.enqueue_indirect_dma source(%dma_start3A_14 : memref<100000x128xf32, #tpu.memory_space<hbm>>) target(%dma_start3A_9 : memref<128x128xf32, #tpu.memory_space<vmem>>) offsets(%dma_start3A_11 : memref<128xi32, #tpu.memory_space<vmem>>) semaphore(%arg9 : memref<!tpu.dma_semaphore, #tpu.memory_space<semaphore_mem>>)
    %dma_wait3A = arith.constant 0 : i32
    %dma_wait3A_15 = arith.constant 0 : i32
    %dma_wait3A_16 = tpu.memref_slice %arg8[%dma_wait3A, %dma_wait3A_15] : memref<128x128xf32, #tpu.memory_space<vmem>> -> memref<128x128xf32, #tpu.memory_space<vmem>>
    %dma_wait3A_17 = arith.constant 0 : i32
    %dma_wait3A_18 = tpu.memref_slice %arg7[%dma_wait3A_17] : memref<128xi32, #tpu.memory_space<vmem>> -> memref<128xi32, #tpu.memory_space<vmem>>
    %dma_wait3A_19 = arith.constant 0 : i32
    %dma_wait3A_20 = arith.constant 0 : i32
    %dma_wait3A_21 = tpu.memref_slice %arg4[%dma_wait3A_19, %dma_wait3A_20] : memref<100000x128xf32, #tpu.memory_space<hbm>> -> memref<100000x128xf32, #tpu.memory_space<hbm>>
    tpu.wait_indirect_dma semaphore(%arg9 : memref<!tpu.dma_semaphore, #tpu.memory_space<semaphore_mem>>) src(%dma_wait3A_21 : memref<100000x128xf32, #tpu.memory_space<hbm>>) dst(%dma_wait3A_16 : memref<128x128xf32, #tpu.memory_space<vmem>>)
    "tpu.region"() ({
      %run_scoped3A = tpu.sem_alloc : memref<!tpu.dma_semaphore, #tpu.memory_space<semaphore_mem>>
      %dma_start3A_22 = arith.constant 0 : i32
      %dma_start3A_23 = tpu.memref_slice %arg5[%mul3A_2, %dma_start3A_22] : memref<4096x128xf32, #tpu.memory_space<hbm>> -> memref<128x128xf32, #tpu.memory_space<hbm>>
      %dma_start3A_24 = arith.constant 0 : i32
      %dma_start3A_25 = tpu.memref_slice %arg5[%mul3A_2, %dma_start3A_24] : memref<4096x128xf32, #tpu.memory_space<hbm>> -> memref<128x128xf32, #tpu.memory_space<hbm>>
      tpu.enqueue_dma source(%arg8 : memref<128x128xf32, #tpu.memory_space<vmem>>) target(%dma_start3A_25 : memref<128x128xf32, #tpu.memory_space<hbm>>) target_semaphore(%run_scoped3A : memref<!tpu.dma_semaphore, #tpu.memory_space<semaphore_mem>>)
      %dma_wait3A_26 = arith.constant 0 : i32
      %dma_wait3A_27 = tpu.memref_slice %arg5[%mul3A_2, %dma_wait3A_26] : memref<4096x128xf32, #tpu.memory_space<hbm>> -> memref<128x128xf32, #tpu.memory_space<hbm>>
      %dma_wait3A_28 = arith.constant 0 : i32
      %dma_wait3A_29 = tpu.memref_slice %arg5[%mul3A_2, %dma_wait3A_28] : memref<4096x128xf32, #tpu.memory_space<hbm>> -> memref<128x128xf32, #tpu.memory_space<hbm>>
      tpu.wait_dma2 semaphore(%run_scoped3A : memref<!tpu.dma_semaphore, #tpu.memory_space<semaphore_mem>>) src(%arg8 : memref<128x128xf32, #tpu.memory_space<vmem>>) dst(%dma_wait3A_29 : memref<128x128xf32, #tpu.memory_space<hbm>>)
      tpu.yield
    }) : () -> ()
    return
  }
}

module attributes {stable_mosaic.version = 14 : i64} {
  func.func @mm_chain(%arg0: i32, %arg1: memref<16384x2048xf32, #tpu.memory_space<any>>, %arg2: memref<512x128xf32, #tpu.memory_space<vmem>>, %arg3: memref<2048x128xf32, #tpu.memory_space<vmem>>, %arg4: memref<512x2048xf32, #tpu.memory_space<vmem>>) attributes {dimension_semantics = [#tpu.dimension_semantics<arbitrary>], iteration_bounds = array<i64: 8>, scalar_prefetch = 0 : i64, scratch_operands = 0 : i64, tpu.core_type = #tpu.core_type<tc>, window_params = [{}, {transform_indices = @transform_1, window_bounds = array<i64: 512, 128>}, {pipeline_mode = #tpu.pipeline_mode<synchronous>, transform_indices = @transform_2, window_bounds = array<i64: 2048, 128>}, {transform_indices = @transform_3, window_bounds = array<i64: 512, 2048>}]} {
    %get3A = arith.constant 0 : index
    %get3A_0 = arith.constant 0 : index
    %get3A_1 = vector.load %arg2[%get3A, %get3A_0] : memref<512x128xf32, #tpu.memory_space<vmem>>, vector<512x128xf32>
    %get3A_2 = arith.constant 0 : index
    %get3A_3 = arith.constant 0 : index
    %get3A_4 = vector.load %arg3[%get3A_2, %get3A_3] : memref<2048x128xf32, #tpu.memory_space<vmem>>, vector<2048x128xf32>
    %dot_general3A = arith.constant dense<0.000000e+00> : vector<512x2048xf32>
    %dot_general3A_5 = tpu.matmul %get3A_1, %get3A_4, %dot_general3A {dimension_numbers = #tpu.dot_dimension_numbers<[1], [1], [0], [0], [0, 0, 1, 0], [], []>, transpose_lhs_hint = false} : vector<512x128xf32>, vector<2048x128xf32>, vector<512x2048xf32> -> vector<512x2048xf32>
    %swap3A = arith.constant 0 : index
    %swap3A_6 = arith.constant 0 : index
    %swap3A_7 = vector.load %arg4[%swap3A, %swap3A_6] : memref<512x2048xf32, #tpu.memory_space<vmem>>, vector<512x2048xf32>
    tpu.vector_store %arg4[%swap3A, %swap3A_6], %dot_general3A_5 {strides = array<i32>} : memref<512x2048xf32, #tpu.memory_space<vmem>>, vector<512x2048xf32>,
    return
  }
  func.func @transform_1(%arg0: i32) -> (i32, i32) {
    %c0_i32 = arith.constant 0 : i32
    %c0_i32_0 = arith.constant 0 : i32
    return %arg0, %c0_i32 : i32, i32
  }
  func.func @transform_2(%arg0: i32) -> (i32, i32) {
    %c0_i32 = arith.constant 0 : i32
    %c0_i32_0 = arith.constant 0 : i32
    %c0_i32_1 = arith.constant 0 : i32
    return %c0_i32, %c0_i32_0 : i32, i32
  }
  func.func @transform_3(%arg0: i32) -> (i32, i32) {
    %add3A = arith.constant 24 : i32
    %add3A_0 = arith.addi %arg0, %add3A : i32
    %c0_i32 = arith.constant 0 : i32
    %c0_i32_1 = arith.constant 0 : i32
    return %add3A_0, %c0_i32 : i32, i32
  }
}

module attributes {stable_mosaic.version = 14 : i64} {
  func.func @mm_chain(%arg0: i32, %arg1: memref<16384x2048xf32, #tpu.memory_space<any>>, %arg2: memref<512x128xf32, #tpu.memory_space<vmem>>, %arg3: memref<2048x128xf32, #tpu.memory_space<vmem>>, %arg4: memref<512x2048xf32, #tpu.memory_space<vmem>>) attributes {dimension_semantics = [#tpu.dimension_semantics<arbitrary>], iteration_bounds = array<i64: 8>, scalar_prefetch = 0 : i64, scratch_operands = 0 : i64, tpu.core_type = #tpu.core_type<tc>, window_params = [{}, {transform_indices = @transform_1, window_bounds = array<i64: 512, 128>}, {pipeline_mode = #tpu.pipeline_mode<synchronous>, transform_indices = @transform_2, window_bounds = array<i64: 2048, 128>}, {transform_indices = @transform_3, window_bounds = array<i64: 512, 2048>}]} {
    %get3A = arith.constant 0 : index
    %get3A_0 = arith.constant 0 : index
    %get3A_1 = vector.load %arg2[%get3A, %get3A_0] : memref<512x128xf32, #tpu.memory_space<vmem>>, vector<512x128xf32>
    %get3A_2 = arith.constant 0 : index
    %get3A_3 = arith.constant 0 : index
    %get3A_4 = vector.load %arg3[%get3A_2, %get3A_3] : memref<2048x128xf32, #tpu.memory_space<vmem>>, vector<2048x128xf32>
    %dot_general3A = arith.constant dense<0.000000e+00> : vector<512x2048xf32>
    %dot_general3A_5 = tpu.matmul %get3A_1, %get3A_4, %dot_general3A {dimension_numbers = #tpu.dot_dimension_numbers<[1], [1], [0], [0], [0, 0, 1, 0], [], []>, transpose_lhs_hint = false} : vector<512x128xf32>, vector<2048x128xf32>, vector<512x2048xf32> -> vector<512x2048xf32>
    %swap3A = arith.constant 0 : index
    %swap3A_6 = arith.constant 0 : index
    %swap3A_7 = vector.load %arg4[%swap3A, %swap3A_6] : memref<512x2048xf32, #tpu.memory_space<vmem>>, vector<512x2048xf32>
    tpu.vector_store %arg4[%swap3A, %swap3A_6], %dot_general3A_5 {strides = array<i32>} : memref<512x2048xf32, #tpu.memory_space<vmem>>, vector<512x2048xf32>,
    return
  }
  func.func @transform_1(%arg0: i32) -> (i32, i32) {
    %c0_i32 = arith.constant 0 : i32
    %c0_i32_0 = arith.constant 0 : i32
    return %arg0, %c0_i32 : i32, i32
  }
  func.func @transform_2(%arg0: i32) -> (i32, i32) {
    %c0_i32 = arith.constant 0 : i32
    %c0_i32_0 = arith.constant 0 : i32
    %c0_i32_1 = arith.constant 0 : i32
    return %c0_i32, %c0_i32_0 : i32, i32
  }
  func.func @transform_3(%arg0: i32) -> (i32, i32) {
    %add3A = arith.constant 8 : i32
    %add3A_0 = arith.addi %arg0, %add3A : i32
    %c0_i32 = arith.constant 0 : i32
    %c0_i32_1 = arith.constant 0 : i32
    return %add3A_0, %c0_i32 : i32, i32
  }
}

module attributes {stable_mosaic.version = 14 : i64} {
  func.func @mm_chain(%arg0: i32, %arg1: memref<16384x2048xf32, #tpu.memory_space<any>>, %arg2: memref<512x128xf32, #tpu.memory_space<vmem>>, %arg3: memref<2048x128xf32, #tpu.memory_space<vmem>>, %arg4: memref<512x2048xf32, #tpu.memory_space<vmem>>) attributes {dimension_semantics = [#tpu.dimension_semantics<arbitrary>], iteration_bounds = array<i64: 8>, scalar_prefetch = 0 : i64, scratch_operands = 0 : i64, tpu.core_type = #tpu.core_type<tc>, window_params = [{}, {transform_indices = @transform_1, window_bounds = array<i64: 512, 128>}, {pipeline_mode = #tpu.pipeline_mode<synchronous>, transform_indices = @transform_2, window_bounds = array<i64: 2048, 128>}, {transform_indices = @transform_3, window_bounds = array<i64: 512, 2048>}]} {
    %get3A = arith.constant 0 : index
    %get3A_0 = arith.constant 0 : index
    %get3A_1 = vector.load %arg2[%get3A, %get3A_0] : memref<512x128xf32, #tpu.memory_space<vmem>>, vector<512x128xf32>
    %get3A_2 = arith.constant 0 : index
    %get3A_3 = arith.constant 0 : index
    %get3A_4 = vector.load %arg3[%get3A_2, %get3A_3] : memref<2048x128xf32, #tpu.memory_space<vmem>>, vector<2048x128xf32>
    %dot_general3A = arith.constant dense<0.000000e+00> : vector<512x2048xf32>
    %dot_general3A_5 = tpu.matmul %get3A_1, %get3A_4, %dot_general3A {dimension_numbers = #tpu.dot_dimension_numbers<[1], [1], [0], [0], [0, 0, 1, 0], [], []>, transpose_lhs_hint = false} : vector<512x128xf32>, vector<2048x128xf32>, vector<512x2048xf32> -> vector<512x2048xf32>
    %swap3A = arith.constant 0 : index
    %swap3A_6 = arith.constant 0 : index
    %swap3A_7 = vector.load %arg4[%swap3A, %swap3A_6] : memref<512x2048xf32, #tpu.memory_space<vmem>>, vector<512x2048xf32>
    tpu.vector_store %arg4[%swap3A, %swap3A_6], %dot_general3A_5 {strides = array<i32>} : memref<512x2048xf32, #tpu.memory_space<vmem>>, vector<512x2048xf32>,
    return
  }
  func.func @transform_1(%arg0: i32) -> (i32, i32) {
    %c0_i32 = arith.constant 0 : i32
    %c0_i32_0 = arith.constant 0 : i32
    return %arg0, %c0_i32 : i32, i32
  }
  func.func @transform_2(%arg0: i32) -> (i32, i32) {
    %c0_i32 = arith.constant 0 : i32
    %c0_i32_0 = arith.constant 0 : i32
    %c0_i32_1 = arith.constant 0 : i32
    return %c0_i32, %c0_i32_0 : i32, i32
  }
  func.func @transform_3(%arg0: i32) -> (i32, i32) {
    %add3A = arith.constant 16 : i32
    %add3A_0 = arith.addi %arg0, %add3A : i32
    %c0_i32 = arith.constant 0 : i32
    %c0_i32_1 = arith.constant 0 : i32
    return %add3A_0, %c0_i32 : i32, i32
  }
}

module attributes {stable_mosaic.version = 14 : i64} {
  func.func @mm(%arg0: i32, %arg1: memref<512x128xf32, #tpu.memory_space<vmem>>, %arg2: memref<2048x128xf32, #tpu.memory_space<vmem>>, %arg3: memref<512x2048xf32, #tpu.memory_space<vmem>>) attributes {dimension_semantics = [#tpu.dimension_semantics<arbitrary>], iteration_bounds = array<i64: 8>, scalar_prefetch = 0 : i64, scratch_operands = 0 : i64, tpu.core_type = #tpu.core_type<tc>, window_params = [{transform_indices = @transform_0, window_bounds = array<i64: 512, 128>}, {pipeline_mode = #tpu.pipeline_mode<synchronous>, transform_indices = @transform_1, window_bounds = array<i64: 2048, 128>}, {transform_indices = @transform_2, window_bounds = array<i64: 512, 2048>}]} {
    %get3A = arith.constant 0 : index
    %get3A_0 = arith.constant 0 : index
    %get3A_1 = vector.load %arg1[%get3A, %get3A_0] : memref<512x128xf32, #tpu.memory_space<vmem>>, vector<512x128xf32>
    %get3A_2 = arith.constant 0 : index
    %get3A_3 = arith.constant 0 : index
    %get3A_4 = vector.load %arg2[%get3A_2, %get3A_3] : memref<2048x128xf32, #tpu.memory_space<vmem>>, vector<2048x128xf32>
    %dot_general3A = arith.constant dense<0.000000e+00> : vector<512x2048xf32>
    %dot_general3A_5 = tpu.matmul %get3A_1, %get3A_4, %dot_general3A {dimension_numbers = #tpu.dot_dimension_numbers<[1], [1], [0], [0], [0, 0, 1, 0], [], []>, transpose_lhs_hint = false} : vector<512x128xf32>, vector<2048x128xf32>, vector<512x2048xf32> -> vector<512x2048xf32>
    %swap3A = arith.constant 0 : index
    %swap3A_6 = arith.constant 0 : index
    %swap3A_7 = vector.load %arg3[%swap3A, %swap3A_6] : memref<512x2048xf32, #tpu.memory_space<vmem>>, vector<512x2048xf32>
    tpu.vector_store %arg3[%swap3A, %swap3A_6], %dot_general3A_5 {strides = array<i32>} : memref<512x2048xf32, #tpu.memory_space<vmem>>, vector<512x2048xf32>,
    return
  }
  func.func @transform_0(%arg0: i32) -> (i32, i32) {
    %c0_i32 = arith.constant 0 : i32
    %c0_i32_0 = arith.constant 0 : i32
    return %arg0, %c0_i32 : i32, i32
  }
  func.func @transform_1(%arg0: i32) -> (i32, i32) {
    %c0_i32 = arith.constant 0 : i32
    %c0_i32_0 = arith.constant 0 : i32
    %c0_i32_1 = arith.constant 0 : i32
    return %c0_i32, %c0_i32_0 : i32, i32
  }
  func.func @transform_2(%arg0: i32) -> (i32, i32) {
    %add3A = arith.constant 0 : i32
    %add3A_0 = arith.addi %arg0, %add3A : i32
    %c0_i32 = arith.constant 0 : i32
    %c0_i32_1 = arith.constant 0 : i32
    return %add3A_0, %c0_i32 : i32, i32
  }
}

</mosaic_0001>

<sc_bundles>
// kernel: kernel.10.cloned.1.call-start
scs
__scs_entry_jumppad:
0x0: {  	(pc) =	sbr.rel $0x88, $3  }
0x1: {  	(tag) =	ssettag $0x0;
	lr =	simm.s32 $0x1  }
0x2: {  	[smem:$0x3F9E] =	sst lr;
	_ =	strace $0xD0000000  }
0x3: {  	_ = 	snop  }
0x4: {  	_ = 	snop  }
0x5: {  	_ = 	snop  }
0x6: {  	_ = 	snop  }
0x7: {  	_ = 	snop  }
__scs_overlays_trampoline_lowered:
0x8: {  	[smem:$0x3FAD] =	sst s0  }
0x9: {  	[smem:$0x3FAE] =	sst s1  }
0xa: {  	[smem:$0x3FAF] =	sst s2  }
0xb: {  	[smem:$0x3FB0] =	sst s3  }
0xc: {  	[smem:$0x3FB1] =	sst s4  }
0xd: {  	[smem:$0x3FB2] =	sst s5  }
0xe: {  	[smem:$0x3FB3] =	sst s6  }
0xf: {  	[smem:$0x3FB4] =	sst s7  }
0x10: {  	[smem:$0x3FB5] =	sst s8  }
0x11: {  	[smem:$0x3FB6] =	sst s9;
	s0 =	simm.s32 @!p0 $0x0  }
0x12: {  	s1 =	sld [smem:$0x3F9C];
	s0 =	simm.s32 @p0 $0x1  }
0x13: {  	[smem:$0x3FB7] =	sst s0;
	s0 =	simm.s32 @!p1 $0x0  }
0x14: {  	s2 =	sld [smem:$0x3F9B];
	s0 =	simm.s32 @p1 $0x1  }
0x15: {  	[smem:$0x3FB8] =	sst s0;
	s0 =	simm.s32 @!p2 $0x0  }
0x16: {  	s3 =	sld [smem:$0x3FDB];
	s0 =	simm.s32 @p2 $0x1  }
0x17: {  	s4 =	simm.s32 $0x1BF5;
	[smem:$0x3FBA] =	sst s0  }
0x18: {  	s0 =	sld [smem:$0x3F9D];
	_ =	swait.ge [sflag:s4], $0x0  }
0x19: {  	s7 =	sld [smem:$0x3F9E]  }
0x1a: {  	s8 =	sadd.s32 $0xFFFFE003, lr  }
0x1b: {  	s9 =	sadd.s32 $0xFFFFFEF7, lr;
	s5 =	simm.s32 $0xFFFFFFFF;
	p2 =	slt.u32 s8, $0xFFFFF086  }
0x1c: {  	p1 =	slt.u32 s9, $0xF7A;
	s5 =	simm.s32 @!p2 $0x0  }
0x1d: {  	s5 =	simm.s32 @p1 $0x1;
	p0 =	seq.s32 s7, s2  }
0x1e: {  	s7 =	smul.u32 @!p0 $0xF7A, s2;
	p2 =	seq.s32 @!p0 s5, $0x0  }
0x1f: {  	s9 =	smul.u32 $0xF7A, s1;
	s8 =	simm.s32 @!p0 $0x1BF5;
	p2 =	por !p2, p0  }
0x20: {  	[sflag:s8] =	ssyncset.s32 @!p0 $0xFFFFF086;
	s6 =	sadd.s32 @!p0 s3, s7;
	s7 =	simm.s32 @!p0 $0x108  }
0x21: {  	s3 =	sadd.s32 s3, s9;
	s6 =	sadd.s32 @!p0 $0x88, s6;
	s7 =	simm.s32 @p2 $0x1082  }
0x22: {  	[simem:s7], [sflag:s8] =	dma.local @!p0 [hbm:s6], $0xF7A  }
0x23: {  	s9 =	sor.u32 $0xD0000000, s2;
	s6 =	simm.s32 $0x108;
	_ =	swait.ge @!p0 [sflag:s8], $0x0  }
0x24: {  	s3 =	sadd.s32 $0x88, s3;
	s6 =	simm.s32 @!p1 $0x1082;
	[sflag:s4] =	ssyncset.s32 $0xFFFFF086  }
0x25: {  	[simem:s6], [sflag:s4] =	dma.local [hbm:s3], $0xF7A  }
0x26: {  	[smem:$0x3F9E] =	sst s1;
	(tag) =	ssettag s2;
	_ =	strace s9  }
0x27: {  	s1 =	sld [smem:$0x3FAE]  }
0x28: {  	s2 =	sld [smem:$0x3FAF]  }
0x29: {  	s4 =	sld [smem:$0x3FB1]  }
0x2a: {  	p0 =	seq.s32 s5, $0x0;
	s5 =	sld [smem:$0x3FB2]  }
0x2b: {  	s6 =	sld [smem:$0x3FB3]  }
0x2c: {  	s7 =	sld [smem:$0x3FB4]  }
0x2d: {  	s3 =	simm.s32 $0x108;
	s8 =	sld [smem:$0x3FB5]  }
0x2e: {  	s3 =	simm.s32 @!p0 $0x1082;
	s9 =	sld [smem:$0x3FB6]  }
0x2f: {  	lr =	sadd.s32 s0, s3;
	s0 =	sld [smem:$0x3FAD]  }
0x30: {  	s3 =	sld [smem:$0x3FB0]  }
0x31: {  	[smem:$0x3FB9] =	sst s10  }
0x32: {  	s10 =	sld [smem:$0x3FB7];
	_ =	sdelay $0x3  }
0x33: {  	p0 =	seq.s32 s10, $0x1;
	s10 =	sld [smem:$0x3FB9];
	_ =	sdelay $0x3  }
0x34: {  	[smem:$0x3FB9] =	sst s10  }
0x35: {  	s10 =	sld [smem:$0x3FB8];
	_ =	sdelay $0x3  }
0x36: {  	p1 =	seq.s32 s10, $0x1;
	s10 =	sld [smem:$0x3FB9];
	_ =	sdelay $0x3  }
0x37: {  	[smem:$0x3FB9] =	sst s10  }
0x38: {  	s10 =	sld [smem:$0x3FBA]  }
0x39: {  	_ = 	snop;
	(pc) =	sbr.ind lr, $3  }
0x3a: {  	_ = 	snop  }
0x3b: {  	_ = 	snop  }
0x3c: {  	p2 =	seq.s32 s10, $0x1;
	s10 =	sld [smem:$0x3FB9]  }
0x3d: {  	_ =	shalt  }
0x3e: {  	_ =	shalt  }
0x3f: {  	_ =	shalt  }
0x40: {  	_ =	shalt  }
0x41: {  	_ =	shalt  }
0x42: {  	_ =	shalt  }
0x43: {  	_ =	shalt  }
0x44: {  	_ =	shalt  }
0x45: {  	_ =	shalt  }
0x46: {  	_ =	shalt  }
0x47: {  	_ =	shalt  }
0x48: {  	_ =	shalt  }
0x49: {  	_ =	shalt  }
0x4a: {  	_ =	shalt  }
0x4b: {  	_ =	shalt  }
0x4c: {  	_ =	shalt  }
0x4d: {  	_ =	shalt  }
0x4e: {  	_ =	shalt  }
0x4f: {  	_ =	shalt  }
0x50: {  	_ =	shalt  }
0x51: {  	_ =	shalt  }
0x52: {  	_ =	shalt  }
0x53: {  	_ =	shalt  }
0x54: {  	_ =	shalt  }
0x55: {  	_ =	shalt  }
0x56: {  	_ =	shalt  }
0x57: {  	_ =	shalt  }
0x58: {  	_ =	shalt  }
0x59: {  	_ =	shalt  }
0x5a: {  	_ =	shalt  }
0x5b: {  	_ =	shalt  }
0x5c: {  	_ =	shalt  }
0x5d: {  	_ =	shalt  }
0x5e: {  	_ =	shalt  }
0x5f: {  	_ =	shalt  }
0x60: {  	_ =	shalt  }
0x61: {  	_ =	shalt  }
0x62: {  	_ =	shalt  }
0x63: {  	_ =	shalt  }
0x64: {  	_ =	shalt  }
0x65: {  	_ =	shalt  }
0x66: {  	_ =	shalt  }
0x67: {  	_ =	shalt  }
0x68: {  	_ =	shalt  }
0x69: {  	_ =	shalt  }
0x6a: {  	_ =	shalt  }
0x6b: {  	_ =	shalt  }
0x6c: {  	_ =	shalt  }
0x6d: {  	_ =	shalt  }
0x6e: {  	_ =	shalt  }
0x6f: {  	_ =	shalt  }
0x70: {  	_ =	shalt  }
0x71: {  	_ =	shalt  }
0x72: {  	_ =	shalt  }
0x73: {  	_ =	shalt  }
0x74: {  	_ =	shalt  }
0x75: {  	_ =	shalt  }
0x76: {  	_ =	shalt  }
0x77: {  	_ =	shalt  }
0x78: {  	_ =	shalt  }
0x79: {  	_ =	shalt  }
0x7a: {  	_ =	shalt  }
0x7b: {  	_ =	shalt  }
0x7c: {  	_ =	shalt  }
0x7d: {  	_ =	shalt  }
0x7e: {  	_ =	shalt  }
0x7f: {  	_ =	shalt  }
0x80: {  	_ =	shalt  }
0x81: {  	_ =	shalt  }
0x82: {  	_ =	shalt  }
0x83: {  	_ =	shalt  }
0x84: {  	_ =	shalt  }
0x85: {  	_ =	shalt  }
0x86: {  	_ =	shalt  }
0x87: {  	_ =	shalt  }
.Lfunc_end0:
.L_simem_size_0:
called_computation_lowered:
.L_overlay_start_0:
0x88: {  	s2 =	sld [smem:$0x3FD9]  }
0x89: {  	s3 =	sld [smem:$0x3FFE];
	_ =	sdelay $0x1  }
0x8a: {  	s1 =	srdreg.scid  }
0x8b: {  	s0 =	sand.u32 $0x1, s1  }
0x8c: {  	s17 =	sshll.u32 s0, $0xA;
	s2 =	sadd.s32 s3, s2  }
0x8d: {  	s2 =	sadd.s32 s2, s17  }
0x8e: {  	[smem:$0x3FC5] =	sst s2  }
0x8f: {  	_ = 	snop  }
0x90: {  	s2 =	sld [smem:$0x3FC8]  }
0x91: {  	s18 =	sld [smem:$0x3FD0];
	(tm) =	ssettm $0x1  }
0x92: {  	s4 =	sld [smem:$0x3FFB];
	_ =	sdelay $0x3  }
0x93: {  	_ =	strace s4  }
0x94: {  	s4 =	sld [smem:$0x3FFC];
	_ =	sdelay $0x3  }
0x95: {  	_ =	strace s4  }
0x96: {  	s4 =	sld [smem:$0x3FFD];
	_ =	sdelay $0x3  }
0x97: {  	_ =	strace s4  }
0x98: {  	_ =	strace $0x8FFFFFFF  }
0x99: {  	s19 =	sld [smem:$0x3FDB];
	_ =	sdelay $0x1  }
0x9a: {  	s5 =	simm.s32 $_scs_section_size  }
0x9b: {  	s6 =	simm.s32 $_size__tile_overlayer_lowered;
	s7 =	simm.s32 $_tile_overlayer_lowered  }
0x9c: {  	s22 =	simm.s32 $0x1BFF;
	s21 =	sshll.u32 s7, $0x1;
	s4 =	sadd.s32 s5, s19  }
0x9d: {  	s8 =	simm.s32 $0x0;
	s20 =	sshll.u32 s6, $0x1;
	s6 =	sadd.s32 s21, s4  }
0x9e: {  	[timem:s8], [sflag:s22] =	dma.local [hbm:s6], s20  }
0x9f: {  	_ =	swait.ge [sflag:s22], s20  }
0xa0: {  	s5 =	ssub.s32 $0x0, s20;
	[sflag:s22] =	ssyncset.done $0x0  }
0xa1: {  	[sflag:s22] =	ssyncadd.s32 s5;
	_ =	sdelay $0x1  }
0xa2: {  	s23 =	simm.s32 $0x1B8B  }
0xa3: {  	_ =	swait.ge [sflag:s23], $0x1  }
0xa4: {  	[sflag:s23] =	ssyncset.done $0x0  }
0xa5: {  	s25 =	simm.s32 $0x1B8E;
	s24 =	sld [smem:$0x3FFE];
	[sflag:s23] =	ssyncadd.s32 $0xFFFFFFFF  }
0xa6: {  	s26 =	simm.s32 $execute0_lowered;
	[smem:$0x3FD2] =	sst s25  }
0xa7: {  	s6 =	sshll.u32 s26, $0x1;
	_ =	strace $0x80000046;
	[dreg:$0x1] =	wrdreg $0xFFFFFFFF  }
0xa8: {  	s28 =	simm.s32 $_size_execute0_lowered;
	s4 =	sadd.s32 s4, s6;
	[dreg:$0x0] =	wrdreg $0x0  }
0xa9: {  	s6 =	sshll.u32 s28, $0x1;
	[dreg:$0x2] =	wrdreg s4  }
0xaa: {  	[dreg:$0x3] =	wrdreg s6  }
0xab: {  	[dreg:$0x4] =	wrdreg $0xC0  }
0xac: {  	_ =	task [dreg:s8], $0x5FFFF  }
0xad: {  	[dreg:$0x1] =	wrdreg $0xFFFFFFFF  }
0xae: {  	[dreg:$0x0] =	wrdreg $0x60  }
0xaf: {  	[dreg:$0x2] =	wrdreg s24  }
0xb0: {  	[dreg:$0x3] =	wrdreg s2  }
0xb1: {  	[dreg:$0x4] =	wrdreg s18  }
0xb2: {  	[dreg:$0x5] =	wrdreg $0x9  }
0xb3: {  	_ =	task.clear_ibuf [dreg:s8], $0x6FFFF;
	_ =	strace $0x90000046  }
0xb4: {  	s29 =	simm.s32 $0x9;
	_ =	strace $0x80000048  }
0xb5: {  	_ =	swait.ge [sflag:s29], $0x1  }
0xb6: {  	[sflag:s29] =	ssyncadd.s32 $0xFFFFFFFF  }
0xb7: {  	_ =	strace $0x90000048  }
0xb8: {  	_ =	sfence  }
0xb9: {  	s30 =	sld [smem:$0x0];
	_ =	sdelay $0x2  }
0xba: {  	s31 =	sshll.u32 s1, $0xD;
	s1 =	sshrl.u32 s1, $0x2  }
0xbb: {  	s3 =	sand.u32 $0x4000, s31;
	s1 =	sadd.s32 s1, s30  }
0xbc: {  	s0 =	sor.u32 s3, s0;
	s1 =	sshll.u32 s1, $0x11  }
0xbd: {  	s0 =	sor.u32 s1, s0  }
0xbe: {  	s0 =	sadd.s32 $0x8F2B, s0  }
0xbf: {  	[sflag:s0] =	ssyncadd.remote.s32 $0x1  }
0xc0: {  	_ =	sfence.sel $0xFFFF  }
0xc1: {  	[dreg:$0x0] =	wrdreg $0xFFFFFFFF;
	(pc) =	sbr.abs _section_cstart, $3  }
0xc2: {  	[dreg:$0x1] =	wrdreg $0xFFFFFFFF  }
0xc3: {  	_ =	task.clear_ibuf [dreg:s8], $0x2FFFF;
	_ =	strace $0x9FFFFFFF  }
0xc4: {  	(tm) =	ssettm $0x7FFFFFFF  }
0xc5: {  	_ =	shalt  }
tec
execute0_lowered:
.L_overlay_start_1:
0x0: {  	(tag) =	ssettag $0x1  }
0x1: {  	s0 =	rddreg [dreg:$0x0];
	s2 =	srdreg.scid  }
0x2: {  	s1 =	rddreg [dreg:$0x2];
	s3 =	stileid.u32;
	s2 =	sand.u32 $0x1, s2  }
0x3: {  	s7 =	simm.s32 $0x0;
	s4 =	sshll.u32 s3, $0x8;
	s5 =	sshll.u32 s2, $0x7  }
0x4: {  	v0 =	vimm.s32 $0xECA86420;
	vm0 =	vcmask $0xB08;
	[smem:$0x7FF] =	sst s7;
	s2 =	ssub.s32 $0x2, s2;
	s4 =	sor.u32 s5, s4  }
0x5: {  	vm1 =	vcmask $0x1310;
	vm2 =	vcmask $0x1B18;
	vm11 =	vcmask $0x300;
	s6 =	sshrl.u32 s2, $0x1;
	s5 =	sshrl.u32 s4, $0x3;
	s4 =	sshll.u32 s4, $0x4  }
0x6: {  	vm4 =	vcmask $0x2320;
	vm5 =	vcmask $0x2B28;
	vm6 =	vcmask $0x3330;
	_ =	strace $0x80000047;
	s2 =	ssub.s32 s2, s6;
	s30 =	sadd.s32 s1, s4  }
0x7: {  	vm7 =	vcmask $0x3B38;
	v1 =	vlaneseq.u32;
	vm8 =	vmmov $0xff;
	s0 =	sadd.s32 s5, s0;
	s31 =	smax.u32 s2, $0x1;
	[dreg:$0x7] =	wrdreg s30  }
0x8: {  	vm10 =	vcmask $0x704;
	vm12 =	vcmask $0x1714;
	v0 =	vunpack.c.l.s4.s8 v0;
	s29 =	sadd.s32 $0x1E00, s0;
	[dreg:$0x8] =	wrdreg s31  }
0x9: {  	vm13 =	vcmask $0x1F1C;
	vm14 =	vcmask $0x2724;
	vm15 =	vcmask $0x2F2C;
	s3 =	simm.s32 $0x0;
	s0 =	sadd.s32 $0x2000, s0;
	[dreg:$0x5] =	wrdreg s29  }
0xa: {  	vm3 =	vcmask $0x3734;
	v1 =	vmul.u32 $0x2, v1;
	v0 =	vunpack.c.0.s8.s32 v0;
	s1 =	simm.s32 $0x2;
	s2 =	simm.s32 $0x80;
	[dreg:$0x6] =	wrdreg s0  }
.LBB2_1:
0xb: {  	[dreg:$0x9] =	wrdreg s3  }
0xc: {  	s0 =	rddreg [dreg:$0x5]  }
0xd: {  	[tilespmem:s7], [sflag:$0x2] =	stream.linear.gather [hbm4b:s0+s7], $0x80, $0x38;
	[tilespmem:$0x4100] =	vst v63  }
0xe: {  	_ =	swait.ge [sflag:s1], $0x80  }
0xf: {  	[sflag:s1] =	ssyncset.done $0x0  }
0x10: {  	s21 =	rddreg [dreg:$0x6];
	[sflag:s1] =	ssyncadd.s32 $0xFFFFFF80  }
0x11: {  	[tilespmem:s2], [sflag:$0x2] =	stream.linear.gather [hbm4b:s21+s7], $0x80, $0x38;
	[tilespmem:$0x4100] =	vst v63  }
0x12: {  	_ =	swait.ge [sflag:s1], $0x80  }
0x13: {  	[sflag:s1] =	ssyncset.done $0x0  }
0x14: {  	s13 =	simm.s32 $0x0;
	[sflag:s1] =	ssyncadd.s32 $0xFFFFFF80  }
0x15: {  	v2 =	vld [tilespmem:s13+$0x80];
	_ =	sdelay $0x1  }
0x16: {  	v3 =	vld [tilespmem:s13+$0x0];
	_ =	sdelay $0x2  }
0x17: {  	v2 =	vmul.u32 $0x3F1, v2;
	_ =	sdelay $0x1  }
0x18: {  	v2 =	vadd.s32 v3, v2  }
0x19: {  	(v2sf) =	vpush v2, $0x7;
	_ =	sdelay $0x1  }
0x1a: {  	(v2sf) =	vpush v2, $0x0  }
0x1b: {  	(v2sf) =	vpush v2, $0x1;
	_ =	sdelay $0x1  }
0x1c: {  	(v2sf) =	vpush v2, $0x2;
	_ =	sdelay $0x1  }
0x1d: {  	(v2sf) =	vpush v2, $0x3  }
0x1e: {  	(v2sf) =	vpush v2, $0x4;
	_ =	sdelay $0x2  }
0x1f: {  	(v2sf) =	vpush v2, $0xC  }
0x20: {  	(v2sf) =	vpush v2, $0x8;
	_ =	sdelay $0x2  }
0x21: {  	s22 =	spop (v2sf)  }
0x22: {  	(v2sf) =	vpush v2, $0xD;
	s23 =	smulhi.u32 $0x14F8B589, s22;
	s0 =	sshra.s32 s22, $0x1F  }
0x23: {  	s24 =	spop (v2sf);
	s0 =	smul.u32 $0x14F8B589, s0  }
0x24: {  	(v2sf) =	vpush v2, $0xE;
	s4 =	spop (v2sf);
	s2 =	smulhi.u32 $0x14F8B589, s24  }
0x25: {  	(v2sf) =	vpush v2, $0x9;
	s7 =	sshra.s32 s24, $0x1F;
	s5 =	smulhi.u32 $0x14F8B589, s4  }
0x26: {  	s6 =	spop (v2sf);
	s7 =	smul.u32 $0x14F8B589, s7  }
0x27: {  	s4 =	sshra.s32 s4, $0x1F;
	s9 =	smulhi.u32 $0x14F8B589, s6  }
0x28: {  	(v2sf) =	vpush v2, $0xA;
	s6 =	sshra.s32 s6, $0x1F;
	s4 =	smul.u32 $0x14F8B589, s4;
	s15 =	spop (v2sf)  }
0x29: {  	s14 =	sadd.s32 s0, s23;
	s25 =	smul.u32 $0x14F8B589, s6;
	s26 =	spop (v2sf)  }
0x2a: {  	s8 =	sshra.s32 s15, $0x1F;
	s15 =	smulhi.u32 $0x14F8B589, s15;
	s2 =	sadd.s32 s7, s2  }
0x2b: {  	(v2sf) =	vpush v2, $0xF;
	s16 =	sshra.s32 s26, $0x1F;
	s4 =	sadd.s32 s4, s5;
	s6 =	smul.u32 $0x14F8B589, s8  }
0x2c: {  	s17 =	spop (v2sf);
	s1 =	smulhi.u32 $0x14F8B589, s26;
	s7 =	sshra.s32 s2, $0x1F  }
0x2d: {  	(v2sf) =	vpush v2, $0xB;
	s5 =	smul.u32 $0x14F8B589, s16;
	s10 =	sshra.s32 s4, $0xD;
	s18 =	spop (v2sf)  }
0x2e: {  	s16 =	sshra.s32 s4, $0x1F;
	s19 =	sshra.s32 s17, $0x1F;
	s12 =	smulhi.u32 $0x14F8B589, s17  }
0x2f: {  	s0 =	sadd.s32 s25, s9;
	s20 =	sshrl.u32 s4, $0x1F;
	s21 =	smulhi.u32 $0x14F8B589, s18  }
0x30: {  	(v2sf) =	vpush v2, $0x6;
	[dreg:$0xa] =	wrdreg s10;
	s11 =	smul.u32 $0x14F8B589, s19;
	s18 =	sshra.s32 s18, $0x1F  }
0x31: {  	s22 =	spop (v2sf);
	s19 =	sshra.s32 s0, $0xD;
	s17 =	sshrl.u32 s0, $0x1F  }
0x32: {  	s6 =	sadd.s32 s6, s15;
	s23 =	smul.u32 $0x14F8B589, s18;
	s18 =	sshra.s32 s0, $0x1F  }
0x33: {  	(v2sf) =	vpush v2, $0x5;
	s31 =	smulhi.u32 $0x14F8B589, s22;
	s0 =	spop (v2sf);
	s24 =	sshra.s32 s22, $0x1F  }
0x34: {  	s29 =	sshrl.u32 s6, $0x1F;
	s22 =	spop (v2sf);
	s25 =	sshra.s32 s0, $0x1F  }
0x35: {  	s4 =	sadd.s32 s11, s12;
	s0 =	smulhi.u32 $0x14F8B589, s0;
	s28 =	sshra.s32 s22, $0x1F  }
0x36: {  	s21 =	sadd.s32 s23, s21;
	s23 =	sadd.s32 s5, s1;
	s5 =	smulhi.u32 $0x14F8B589, s22  }
0x37: {  	s10 =	sshrl.u32 s4, $0x1F;
	s15 =	smul.u32 $0x14F8B589, s28;
	s26 =	spop (v2sf)  }
0x38: {  	s4 =	sshra.s32 s4, $0xD;
	s9 =	smulhi.u32 $0x14F8B589, s26;
	s26 =	sshra.s32 s26, $0x1F  }
0x39: {  	s8 =	sshrl.u32 s21, $0x1F;
	s12 =	sshra.s32 s21, $0xD;
	s3 =	smul.u32 $0x14F8B589, s26  }
0x3a: {  	v5 =	vmov s12;
	s12 =	rddreg [dreg:$0xa];
	s11 =	spop (v2sf);
	s26 =	sshra.s32 s6, $0xD  }
0x3b: {  	v3 =	vmov s10;
	s10 =	sshra.s32 s11, $0x1F;
	s22 =	sadd.s32 s3, s9;
	s9 =	smul.u32 $0x14F8B589, s25  }
0x3c: {  	s25 =	sshra.s32 s6, $0x1F;
	s3 =	spop (v2sf);
	s6 =	sadd.s32 s15, s5  }
0x3d: {  	s5 =	sshra.s32 s14, $0x1F;
	s15 =	simm.s32 $0x40;
	s30 =	smulhi.u32 $0x14F8B589, s3  }
0x3e: {  	s1 =	sshra.s32 s3, $0x1F;
	s21 =	sadd.s32 s9, s0;
	s9 =	smul.u32 $0x14F8B589, s24  }
0x3f: {  	v4 =	vmov s5;
	s5 =	spop (v2sf);
	s24 =	sshra.s32 s2, $0xD;
	s0 =	smulhi.u32 $0x14F8B589, s11  }
0x40: {  	v6 =	vmov s8;
	s3 =	sshrl.u32 s2, $0x1F;
	s28 =	smulhi.u32 $0x14F8B589, s5;
	s2 =	sshra.s32 s23, $0xD;
	v7 =	vsel vm11, s24, v4  }
0x41: {  	v8 =	vmov s3;
	s11 =	sshra.s32 s6, $0xD;
	s24 =	sshrl.u32 s22, $0x1F;
	v4 =	vmov s4;
	v9 =	vsel vm10, s7, v7;
	s4 =	sadd.s32 s9, s31  }
0x42: {  	v5 =	vsel vm0, s11, v5;
	s9 =	sshra.s32 s23, $0x1F;
	s7 =	smul.u32 $0x14F8B589, s10;
	v7 =	vnsel vm11, $0x0, v8;
	s31 =	spop (v2sf);
	v8 =	vsel vm0, s12, v9  }
.LBB2_2:
0x43: {  	vm9 =	vcmask $0xF0C  }
0x44: {  	s3 =	sshrl.u32 s6, $0x1F;
	v7 =	vsel vm0, s20, v7;
	s12 =	sshra.s32 s31, $0x1F;
	s8 =	sshra.s32 s4, $0xD;
	v8 =	vsel vm9, s16, v8  }
0x45: {  	s20 =	smulhi.u32 $0x14F8B589, s31;
	s5 =	sshra.s32 s5, $0x1F;
	s10 =	sshra.s32 s21, $0xD;
	v6 =	vsel vm0, s3, v6;
	v7 =	vsel vm1, s17, v7;
	v8 =	vsel vm1, s19, v8  }
0x46: {  	s1 =	smul.u32 $0x14F8B589, s1;
	s11 =	sshrl.u32 s23, $0x1F;
	v4 =	vsel vm0, s8, v4;
	s17 =	sshra.s32 s22, $0xD;
	v7 =	vsel vm2, s29, v7;
	v8 =	vsel vm12, s18, v8  }
0x47: {  	s23 =	sshrl.u32 s21, $0x1F;
	s0 =	sadd.s32 s7, s0;
	s6 =	smul.u32 $0x14F8B589, s12;
	v4 =	vsel vm1, s10, v4;
	v5 =	vsel vm1, s17, v5;
	v8 =	vsel vm2, s26, v8  }
0x48: {  	s12 =	sshra.s32 s0, $0xD;
	s1 =	sadd.s32 s1, s30;
	s19 =	sshrl.u32 s4, $0x1F;
	v6 =	vsel vm1, s24, v6;
	v7 =	vsel vm4, s11, v7;
	v8 =	vsel vm13, s25, v8  }
0x49: {  	s5 =	smul.u32 $0x14F8B589, s5;
	s3 =	sadd.s32 s6, s20;
	v4 =	vsel vm2, s12, v4;
	s20 =	sshrl.u32 s1, $0x1F;
	v3 =	vsel vm0, s19, v3;
	v8 =	vsel vm4, s2, v8  }
0x4a: {  	s6 =	sshra.s32 s1, $0xD;
	s18 =	sshrl.u32 s3, $0x1F;
	s22 =	sshra.s32 s3, $0xD;
	v3 =	vsel vm1, s23, v3;
	v6 =	vsel vm2, s20, v6;
	v8 =	vsel vm14, s9, v8  }
0x4b: {  	s0 =	sshrl.u32 s0, $0x1F;
	s5 =	sadd.s32 s5, s28;
	s3 =	sshra.s32 s3, $0x1F;
	v5 =	vsel vm2, s6, v5;
	v7 =	vsel vm5, s18, v7;
	v8 =	vsel vm5, s22, v8  }
0x4c: {  	s26 =	sshra.s32 s5, $0xD;
	s25 =	sshrl.u32 s5, $0x1F;
	v3 =	vsel vm2, s0, v3;
	v4 =	vcombine.low v5, v4;
	v8 =	vsel vm15, s3, v8  }
0x4d: {  	s8 =	sshrl.u32 s14, $0x1F;
	s7 =	sshra.s32 s5, $0x1F;
	v3 =	vcombine.low v6, v3;
	v6 =	vsel vm6, s25, v7;
	v8 =	vsel vm6, s26, v8  }
0x4e: {  	s9 =	sshra.s32 s14, $0xD;
	v6 =	vsel vm7, s8, v6;
	v7 =	vsel vm3, s7, v8  }
0x4f: {  	v4 =	vperm.xlane v4, v0;
	v6 =	vperm.xlane v6, v1;
	v7 =	vsel vm7, s9, v7  }
0x50: {  	v3 =	vperm.xlane v3, v0;
	v5 =	vperm.xlane v7, v1;
	_ =	sdelay $0x1  }
0x51: {  	v3 =	vsel vm8, v6, v3;
	v4 =	vsel vm8, v5, v4  }
0x52: {  	v3 =	vadd.s32 v3, v4  }
0x53: {  	v3 =	vmul.u32 $0x186A0, v3;
	_ =	sdelay $0x1  }
0x54: {  	v2 =	vsub.s32 v2, v3  }
0x55: {  	vm9 =	vlt.s32 v2, $0x0;
	v3 =	vadd.s32 $0x186A0, v2  }
0x56: {  	s16 =	smov.u32 s15;
	v2 =	vsel vm9, v3, v2  }
0x57: {  	s16 =	sshra.s32 s16, $0x2;
	[tilespmem:s13+$0x80] =	vst v2  }
0x58: {  	v2 =	vld [tilespmem:s16+$0x80];
	_ =	sdelay $0x1  }
0x59: {  	v3 =	vld [tilespmem:s16+$0x0];
	_ =	sdelay $0x2  }
0x5a: {  	v2 =	vmul.u32 $0x3F1, v2;
	_ =	sdelay $0x1  }
0x5b: {  	v2 =	vadd.s32 v3, v2  }
0x5c: {  	(v2sf) =	vpush v2, $0x7;
	_ =	sdelay $0x1  }
0x5d: {  	(v2sf) =	vpush v2, $0x0  }
0x5e: {  	(v2sf) =	vpush v2, $0x1;
	_ =	sdelay $0x1  }
0x5f: {  	(v2sf) =	vpush v2, $0x2;
	_ =	sdelay $0x2  }
0x60: {  	(v2sf) =	vpush v2, $0x3;
	_ =	sdelay $0x1  }
0x61: {  	(v2sf) =	vpush v2, $0x4  }
0x62: {  	(v2sf) =	vpush v2, $0xC;
	_ =	sdelay $0x2  }
0x63: {  	(v2sf) =	vpush v2, $0x8  }
0x64: {  	s10 =	spop (v2sf)  }
0x65: {  	s11 =	smulhi.u32 $0x14F8B589, s10;
	s12 =	sshra.s32 s10, $0x1F  }
0x66: {  	(v2sf) =	vpush v2, $0xD;
	s13 =	spop (v2sf);
	s2 =	smul.u32 $0x14F8B589, s12  }
0x67: {  	(v2sf) =	vpush v2, $0xE;
	s17 =	spop (v2sf);
	s1 =	smulhi.u32 $0x14F8B589, s13  }
0x68: {  	(v2sf) =	vpush v2, $0x9;
	s0 =	sshra.s32 s13, $0x1F;
	s18 =	smulhi.u32 $0x14F8B589, s17  }
0x69: {  	s19 =	spop (v2sf);
	s28 =	smul.u32 $0x14F8B589, s0  }
0x6a: {  	p0 =	sne.s32 s15, $0x1C0;
	s4 =	sshra.s32 s17, $0x1F;
	s20 =	smulhi.u32 $0x14F8B589, s19  }
0x6b: {  	s15 =	sadd.s32 $0x40, s15;
	(v2sf) =	vpush v2, $0xA;
	s6 =	sshra.s32 s19, $0x1F;
	s21 =	smul.u32 $0x14F8B589, s4  }
0x6c: {  	s14 =	sadd.s32 s2, s11;
	s22 =	spop (v2sf);
	s6 =	smul.u32 $0x14F8B589, s6  }
0x6d: {  	s2 =	sshra.s32 s14, $0x1F;
	s8 =	sshra.s32 s22, $0x1F;
	s9 =	smulhi.u32 $0x14F8B589, s22  }
0x6e: {  	v5 =	vmov s2;
	s2 =	spop (v2sf);
	s5 =	sadd.s32 s21, s18;
	s8 =	smul.u32 $0x14F8B589, s8  }
0x6f: {  	(v2sf) =	vpush v2, $0xF;
	s23 =	sshra.s32 s2, $0x1F;
	s24 =	sshra.s32 s5, $0xD;
	s25 =	spop (v2sf)  }
0x70: {  	s31 =	sshra.s32 s5, $0x1F;
	s6 =	sadd.s32 s6, s20;
	s2 =	smulhi.u32 $0x14F8B589, s2  }
0x71: {  	s20 =	sshrl.u32 s5, $0x1F;
	s10 =	smul.u32 $0x14F8B589, s23;
	[dreg:$0x4] =	wrdreg s24  }
0x72: {  	s26 =	spop (v2sf);
	s11 =	sshra.s32 s25, $0x1F;
	s23 =	smulhi.u32 $0x14F8B589, s25  }
0x73: {  	s19 =	sshra.s32 s6, $0xD;
	s17 =	sshrl.u32 s6, $0x1F;
	s12 =	smulhi.u32 $0x14F8B589, s26  }
0x74: {  	s18 =	sshra.s32 s6, $0x1F;
	s13 =	smul.u32 $0x14F8B589, s11;
	s3 =	sshra.s32 s26, $0x1F  }
0x75: {  	(v2sf) =	vpush v2, $0xB;
	s8 =	sadd.s32 s8, s9;
	s22 =	spop (v2sf);
	s3 =	smul.u32 $0x14F8B589, s3  }
0x76: {  	(v2sf) =	vpush v2, $0x6;
	s29 =	sshrl.u32 s8, $0x1F;
	s4 =	smulhi.u32 $0x14F8B589, s22;
	s6 =	spop (v2sf)  }
0x77: {  	s11 =	sshra.s32 s22, $0x1F;
	s21 =	sshra.s32 s6, $0x1F;
	s22 =	spop (v2sf);
	(v2sf) =	vpush v2, $0x5  }
0x78: {  	s5 =	sadd.s32 s13, s23;
	s6 =	smulhi.u32 $0x14F8B589, s6;
	s24 =	sshra.s32 s22, $0x1F  }
0x79: {  	s26 =	sshrl.u32 s5, $0x1F;
	s3 =	sadd.s32 s3, s12;
	s5 =	sshra.s32 s5, $0xD  }
0x7a: {  	s9 =	smul.u32 $0x14F8B589, s21;
	s12 =	sshrl.u32 s3, $0x1F;
	s25 =	spop (v2sf)  }
0x7b: {  	s3 =	sshra.s32 s3, $0xD;
	s7 =	smulhi.u32 $0x14F8B589, s25;
	s23 =	sshra.s32 s25, $0x1F  }
0x7c: {  	v3 =	vmov s26;
	v6 =	vmov s12;
	s12 =	sadd.s32 s28, s1;
	s21 =	sadd.s32 s9, s6;
	s26 =	smul.u32 $0x14F8B589, s23  }
0x7d: {  	s9 =	sshra.s32 s12, $0x1F;
	s23 =	sadd.s32 s10, s2;
	s2 =	smulhi.u32 $0x14F8B589, s22  }
0x7e: {  	s25 =	sshra.s32 s8, $0x1F;
	s13 =	spop (v2sf);
	s10 =	smul.u32 $0x14F8B589, s24  }
0x7f: {  	s0 =	smulhi.u32 $0x14F8B589, s13;
	s22 =	sadd.s32 s26, s7;
	s26 =	sshra.s32 s8, $0xD  }
0x80: {  	s6 =	sadd.s32 s10, s2;
	s10 =	smul.u32 $0x14F8B589, s11;
	s11 =	sshra.s32 s12, $0xD  }
0x81: {  	s8 =	sshrl.u32 s12, $0x1F;
	s2 =	sshra.s32 s23, $0xD;
	s12 =	sshra.s32 s13, $0x1F  }
.Ltmp0:
0x82: {  	s13 =	smov.u32 s16;
	s16 =	smov.u32 s31;
	(pc) =	sbr.rel @p0 .LBB2_2-.Ltmp0, $4  }
0x83: {  	v5 =	vsel vm11, s11, v5;
	s11 =	sshra.s32 s6, $0xD;
	s7 =	smul.u32 $0x14F8B589, s12;
	s12 =	rddreg [dreg:$0x4]  }
0x84: {  	v9 =	vsel vm10, s9, v5;
	s9 =	sshra.s32 s23, $0x1F;
	s4 =	sadd.s32 s10, s4;
	s24 =	spop (v2sf)  }
0x85: {  	v4 =	vmov s5;
	v8 =	vmov s3;
	v7 =	vmov s8;
	s1 =	sshra.s32 s24, $0x1F;
	s30 =	smulhi.u32 $0x14F8B589, s24;
	s5 =	spop (v2sf)  }
0x86: {  	v7 =	vnsel vm11, $0x0, v7;
	v5 =	vsel vm0, s11, v8;
	v8 =	vsel vm0, s12, v9;
	s24 =	sshrl.u32 s22, $0x1F;
	s28 =	smulhi.u32 $0x14F8B589, s5;
	s31 =	spop (v2sf)  }
0x87: {  	vm9 =	vcmask $0xF0C  }
0x88: {  	s3 =	sshra.s32 s31, $0x1F;
	s8 =	smulhi.u32 $0x14F8B589, s31;
	s6 =	sshrl.u32 s6, $0x1F;
	v8 =	vsel vm9, s16, v8  }
0x89: {  	v7 =	vsel vm0, s20, v7;
	s0 =	sadd.s32 s7, s0;
	s1 =	smul.u32 $0x14F8B589, s1;
	s31 =	sshra.s32 s4, $0xD;
	v6 =	vsel vm0, s6, v6;
	v8 =	vsel vm1, s19, v8  }
0x8a: {  	s5 =	sshra.s32 s5, $0x1F;
	s11 =	sshra.s32 s22, $0xD;
	s15 =	sshrl.u32 s4, $0x1F;
	v7 =	vsel vm1, s17, v7;
	v4 =	vsel vm0, s31, v4;
	v8 =	vsel vm12, s18, v8  }
0x8b: {  	s7 =	sshra.s32 s21, $0xD;
	s3 =	smul.u32 $0x14F8B589, s3;
	s10 =	sshra.s32 s0, $0xD;
	v5 =	vsel vm1, s11, v5;
	v3 =	vsel vm0, s15, v3;
	v8 =	vsel vm2, s26, v8  }
0x8c: {  	s5 =	smul.u32 $0x14F8B589, s5;
	s0 =	sshrl.u32 s0, $0x1F;
	v7 =	vsel vm2, s29, v7;
	s1 =	sadd.s32 s1, s30;
	v4 =	vsel vm1, s7, v4;
	v8 =	vsel vm13, s25, v8  }
0x8d: {  	v6 =	vsel vm1, s24, v6;
	s3 =	sadd.s32 s3, s8;
	s8 =	sshrl.u32 s23, $0x1F;
	v4 =	vsel vm2, s10, v4;
	s18 =	sshrl.u32 s21, $0x1F;
	v8 =	vsel vm4, s2, v8  }
0x8e: {  	s19 =	sshrl.u32 s1, $0x1F;
	s1 =	sshra.s32 s1, $0xD;
	v7 =	vsel vm4, s8, v7;
	s16 =	sshra.s32 s3, $0xD;
	v3 =	vsel vm1, s18, v3;
	v8 =	vsel vm14, s9, v8  }
0x8f: {  	s17 =	sadd.s32 s5, s28;
	s12 =	sshrl.u32 s3, $0x1F;
	s3 =	sshra.s32 s3, $0x1F;
	v6 =	vsel vm2, s19, v6;
	v5 =	vsel vm2, s1, v5;
	v8 =	vsel vm5, s16, v8  }
0x90: {  	s20 =	sshra.s32 s17, $0xD;
	s21 =	sshrl.u32 s17, $0x1F;
	v7 =	vsel vm5, s12, v7;
	v3 =	vsel vm2, s0, v3;
	v8 =	vsel vm15, s3, v8  }
0x91: {  	s23 =	sshrl.u32 s14, $0x1F;
	s22 =	sshra.s32 s17, $0x1F;
	v4 =	vcombine.low v5, v4;
	v7 =	vsel vm6, s21, v7;
	v8 =	vsel vm6, s20, v8  }
0x92: {  	s24 =	sshra.s32 s14, $0xD;
	v3 =	vcombine.low v6, v3;
	v7 =	vsel vm7, s23, v7;
	v61 =	vsel vm3, s22, v8  }
0x93: {  	v4 =	vperm.xlane v4, v0;
	v63 =	vperm.xlane v7, v1;
	v62 =	vsel vm7, s24, v61  }
0x94: {  	v3 =	vperm.xlane v3, v0;
	v5 =	vperm.xlane v62, v1;
	_ =	sdelay $0x1  }
0x95: {  	v3 =	vsel vm8, v63, v3;
	v4 =	vsel vm8, v5, v4  }
0x96: {  	v3 =	vadd.s32 v3, v4  }
0x97: {  	v3 =	vmul.u32 $0x186A0, v3;
	_ =	sdelay $0x1  }
0x98: {  	v2 =	vsub.s32 v2, v3  }
0x99: {  	vm9 =	vlt.s32 v2, $0x0;
	v3 =	vadd.s32 $0x186A0, v2  }
0x9a: {  	s28 =	simm.s32 $0x1;
	v2 =	vsel vm9, v3, v2  }
0x9b: {  	s26 =	simm.s32 $0x100;
	s25 =	rddreg [dreg:$0x1];
	s2 =	simm.s32 $0x80;
	[tilespmem:s13+$0x80] =	vst v2  }
0x9c: {  	[tilespmem:s26], [sflag:$0x1] =	stream.indirect.gather [hbm4b:s25+s2], $0x80, s2, s2, $0xb8;
	[tilespmem:$0x4100] =	vst v63  }
0x9d: {  	_ =	swait.ge [sflag:s28], $0x4000  }
0x9e: {  	s7 =	simm.s32 $0x0;
	[sflag:s28] =	ssyncset.done $0x0  }
0x9f: {  	s1 =	simm.s32 $0x2;
	s29 =	rddreg [dreg:$0x7];
	[sflag:s28] =	ssyncadd.s32 $0xFFFFC000  }
0xa0: {  	[hbm4b:s29+s7] =	stream.linear.scatter [tilespmem:s26], [sflag:$0x2], $0x4000, $0x38;
	[tilespmem:$0x4100] =	vst v63  }
0xa1: {  	_ =	swait.ge [sflag:s1], $0x4000  }
0xa2: {  	s30 =	rddreg [dreg:$0x9]  }
0xa3: {  	s31 =	rddreg [dreg:$0x8];
	s3 =	sadd.s32 $0x1, s30  }
0xa4: {  	p0 =	sne.s32 s3, s31  }
.Ltmp1:
0xa5: {  	_ = 	snop;
	(pc) =	sbr.rel @p0 .LBB2_1-.Ltmp1, $3  }
0xa6: {  	_ =	sdelay $0x1  }
0xa7: {  	[sflag:s1] =	ssyncset.done $0x0  }
0xa8: {  	[sflag:s1] =	ssyncadd.s32 $0xFFFFC000  }
0xa9: {  	_ =	sfence.sel $0x180000  }
0xaa: {  	[bflag:$0x0] =	sbarrier.arrive $0xFFFF  }
0xab: {  	_ =	strace $0x90000047  }
0xac: {  	s0 =	stileid.u32;
	[bflag:$0x2] =	sbarrier.arrive $0xFFFF  }
0xad: {  	p0 =	sne.s32 s0, $0x0;
	s0 =	rddreg [dreg:$0x3]  }
0xae: {  	s0 =	sadd.s32 @!p0 $0x100000, s0  }
0xaf: {  	[sflag:s0] =	ssyncadd.tile.s32 @!p0 $0x1;
	_ =	shalt  }
.Lfunc_end2:
_tile_overlayer_lowered:
.L_overlay_start_2:
0xb0: {  	(tag) =	ssettag $0x2  }
0xb1: {  	s0 =	rddreg [dreg:$0x0];
	s2 =	stileid.u32  }
0xb2: {  	s1 =	rddreg [dreg:$0x1];
	p0 =	sne.s32 s2, $0x0  }
0xb3: {  	s3 =	rddreg [dreg:$0x2];
	[bflag:$0x3] =	sbarrier.arrive $0xFFFF;
	s2 =	simm.s32 @!p0 $0x1C02  }
0xb4: {  	[timem:s3], [sflag:s2] =	dma.local @!p0 [hbm:s0], s1  }
0xb5: {  	s0 =	simm.s32 @!p0 $0x2  }
0xb6: {  	_ =	swait.ge @!p0 [sflag:s0], s1  }
0xb7: {  	s1 =	ssub.s32 @!p0 $0x0, s1;
	[sflag:s0] =	ssyncset.done @!p0 $0x0  }
0xb8: {  	[sflag:s0] =	ssyncadd.s32 @!p0 s1  }
0xb9: {  	[bflag:$0x3] =	sbarrier.arrive $0xFFFF  }
0xba: {  	_ =	shalt  }

// kernel: kernel.13.cloned.1.call-start
scs
__scs_entry_jumppad:
0x0: {  	(pc) =	sbr.rel $0x88, $3  }
0x1: {  	(tag) =	ssettag $0x0;
	lr =	simm.s32 $0x1  }
0x2: {  	[smem:$0x3F9E] =	sst lr;
	_ =	strace $0xD0000000  }
0x3: {  	_ = 	snop  }
0x4: {  	_ = 	snop  }
0x5: {  	_ = 	snop  }
0x6: {  	_ = 	snop  }
0x7: {  	_ = 	snop  }
__scs_overlays_trampoline_lowered:
0x8: {  	[smem:$0x3FAD] =	sst s0  }
0x9: {  	[smem:$0x3FAE] =	sst s1  }
0xa: {  	[smem:$0x3FAF] =	sst s2  }
0xb: {  	[smem:$0x3FB0] =	sst s3  }
0xc: {  	[smem:$0x3FB1] =	sst s4  }
0xd: {  	[smem:$0x3FB2] =	sst s5  }
0xe: {  	[smem:$0x3FB3] =	sst s6  }
0xf: {  	[smem:$0x3FB4] =	sst s7  }
0x10: {  	[smem:$0x3FB5] =	sst s8  }
0x11: {  	[smem:$0x3FB6] =	sst s9;
	s0 =	simm.s32 @!p0 $0x0  }
0x12: {  	s1 =	sld [smem:$0x3F9C];
	s0 =	simm.s32 @p0 $0x1  }
0x13: {  	[smem:$0x3FB7] =	sst s0;
	s0 =	simm.s32 @!p1 $0x0  }
0x14: {  	s2 =	sld [smem:$0x3F9B];
	s0 =	simm.s32 @p1 $0x1  }
0x15: {  	[smem:$0x3FB8] =	sst s0;
	s0 =	simm.s32 @!p2 $0x0  }
0x16: {  	s3 =	sld [smem:$0x3FDB];
	s0 =	simm.s32 @p2 $0x1  }
0x17: {  	s4 =	simm.s32 $0x1BF5;
	[smem:$0x3FBA] =	sst s0  }
0x18: {  	s0 =	sld [smem:$0x3F9D];
	_ =	swait.ge [sflag:s4], $0x0  }
0x19: {  	s7 =	sld [smem:$0x3F9E]  }
0x1a: {  	s8 =	sadd.s32 $0xFFFFE003, lr  }
0x1b: {  	s9 =	sadd.s32 $0xFFFFFEF7, lr;
	s5 =	simm.s32 $0xFFFFFFFF;
	p2 =	slt.u32 s8, $0xFFFFF086  }
0x1c: {  	p1 =	slt.u32 s9, $0xF7A;
	s5 =	simm.s32 @!p2 $0x0  }
0x1d: {  	s5 =	simm.s32 @p1 $0x1;
	p0 =	seq.s32 s7, s2  }
0x1e: {  	s7 =	smul.u32 @!p0 $0xF7A, s2;
	p2 =	seq.s32 @!p0 s5, $0x0  }
0x1f: {  	s9 =	smul.u32 $0xF7A, s1;
	s8 =	simm.s32 @!p0 $0x1BF5;
	p2 =	por !p2, p0  }
0x20: {  	[sflag:s8] =	ssyncset.s32 @!p0 $0xFFFFF086;
	s6 =	sadd.s32 @!p0 s3, s7;
	s7 =	simm.s32 @!p0 $0x108  }
0x21: {  	s3 =	sadd.s32 s3, s9;
	s6 =	sadd.s32 @!p0 $0x88, s6;
	s7 =	simm.s32 @p2 $0x1082  }
0x22: {  	[simem:s7], [sflag:s8] =	dma.local @!p0 [hbm:s6], $0xF7A  }
0x23: {  	s9 =	sor.u32 $0xD0000000, s2;
	s6 =	simm.s32 $0x108;
	_ =	swait.ge @!p0 [sflag:s8], $0x0  }
0x24: {  	s3 =	sadd.s32 $0x88, s3;
	s6 =	simm.s32 @!p1 $0x1082;
	[sflag:s4] =	ssyncset.s32 $0xFFFFF086  }
0x25: {  	[simem:s6], [sflag:s4] =	dma.local [hbm:s3], $0xF7A  }
0x26: {  	[smem:$0x3F9E] =	sst s1;
	(tag) =	ssettag s2;
	_ =	strace s9  }
0x27: {  	s1 =	sld [smem:$0x3FAE]  }
0x28: {  	s2 =	sld [smem:$0x3FAF]  }
0x29: {  	s4 =	sld [smem:$0x3FB1]  }
0x2a: {  	p0 =	seq.s32 s5, $0x0;
	s5 =	sld [smem:$0x3FB2]  }
0x2b: {  	s6 =	sld [smem:$0x3FB3]  }
0x2c: {  	s7 =	sld [smem:$0x3FB4]  }
0x2d: {  	s3 =	simm.s32 $0x108;
	s8 =	sld [smem:$0x3FB5]  }
0x2e: {  	s3 =	simm.s32 @!p0 $0x1082;
	s9 =	sld [smem:$0x3FB6]  }
0x2f: {  	lr =	sadd.s32 s0, s3;
	s0 =	sld [smem:$0x3FAD]  }
0x30: {  	s3 =	sld [smem:$0x3FB0]  }
0x31: {  	[smem:$0x3FB9] =	sst s10  }
0x32: {  	s10 =	sld [smem:$0x3FB7];
	_ =	sdelay $0x3  }
0x33: {  	p0 =	seq.s32 s10, $0x1;
	s10 =	sld [smem:$0x3FB9];
	_ =	sdelay $0x3  }
0x34: {  	[smem:$0x3FB9] =	sst s10  }
0x35: {  	s10 =	sld [smem:$0x3FB8];
	_ =	sdelay $0x3  }
0x36: {  	p1 =	seq.s32 s10, $0x1;
	s10 =	sld [smem:$0x3FB9];
	_ =	sdelay $0x3  }
0x37: {  	[smem:$0x3FB9] =	sst s10  }
0x38: {  	s10 =	sld [smem:$0x3FBA]  }
0x39: {  	_ = 	snop;
	(pc) =	sbr.ind lr, $3  }
0x3a: {  	_ = 	snop  }
0x3b: {  	_ = 	snop  }
0x3c: {  	p2 =	seq.s32 s10, $0x1;
	s10 =	sld [smem:$0x3FB9]  }
0x3d: {  	_ =	shalt  }
0x3e: {  	_ =	shalt  }
0x3f: {  	_ =	shalt  }
0x40: {  	_ =	shalt  }
0x41: {  	_ =	shalt  }
0x42: {  	_ =	shalt  }
0x43: {  	_ =	shalt  }
0x44: {  	_ =	shalt  }
0x45: {  	_ =	shalt  }
0x46: {  	_ =	shalt  }
0x47: {  	_ =	shalt  }
0x48: {  	_ =	shalt  }
0x49: {  	_ =	shalt  }
0x4a: {  	_ =	shalt  }
0x4b: {  	_ =	shalt  }
0x4c: {  	_ =	shalt  }
0x4d: {  	_ =	shalt  }
0x4e: {  	_ =	shalt  }
0x4f: {  	_ =	shalt  }
0x50: {  	_ =	shalt  }
0x51: {  	_ =	shalt  }
0x52: {  	_ =	shalt  }
0x53: {  	_ =	shalt  }
0x54: {  	_ =	shalt  }
0x55: {  	_ =	shalt  }
0x56: {  	_ =	shalt  }
0x57: {  	_ =	shalt  }
0x58: {  	_ =	shalt  }
0x59: {  	_ =	shalt  }
0x5a: {  	_ =	shalt  }
0x5b: {  	_ =	shalt  }
0x5c: {  	_ =	shalt  }
0x5d: {  	_ =	shalt  }
0x5e: {  	_ =	shalt  }
0x5f: {  	_ =	shalt  }
0x60: {  	_ =	shalt  }
0x61: {  	_ =	shalt  }
0x62: {  	_ =	shalt  }
0x63: {  	_ =	shalt  }
0x64: {  	_ =	shalt  }
0x65: {  	_ =	shalt  }
0x66: {  	_ =	shalt  }
0x67: {  	_ =	shalt  }
0x68: {  	_ =	shalt  }
0x69: {  	_ =	shalt  }
0x6a: {  	_ =	shalt  }
0x6b: {  	_ =	shalt  }
0x6c: {  	_ =	shalt  }
0x6d: {  	_ =	shalt  }
0x6e: {  	_ =	shalt  }
0x6f: {  	_ =	shalt  }
0x70: {  	_ =	shalt  }
0x71: {  	_ =	shalt  }
0x72: {  	_ =	shalt  }
0x73: {  	_ =	shalt  }
0x74: {  	_ =	shalt  }
0x75: {  	_ =	shalt  }
0x76: {  	_ =	shalt  }
0x77: {  	_ =	shalt  }
0x78: {  	_ =	shalt  }
0x79: {  	_ =	shalt  }
0x7a: {  	_ =	shalt  }
0x7b: {  	_ =	shalt  }
0x7c: {  	_ =	shalt  }
0x7d: {  	_ =	shalt  }
0x7e: {  	_ =	shalt  }
0x7f: {  	_ =	shalt  }
0x80: {  	_ =	shalt  }
0x81: {  	_ =	shalt  }
0x82: {  	_ =	shalt  }
0x83: {  	_ =	shalt  }
0x84: {  	_ =	shalt  }
0x85: {  	_ =	shalt  }
0x86: {  	_ =	shalt  }
0x87: {  	_ =	shalt  }
.Lfunc_end0:
.L_simem_size_0:
called_computation.1_lowered:
.L_overlay_start_0:
0x88: {  	s2 =	sld [smem:$0x3FD9]  }
0x89: {  	s3 =	sld [smem:$0x3FFE];
	_ =	sdelay $0x1  }
0x8a: {  	s1 =	srdreg.scid  }
0x8b: {  	s0 =	sand.u32 $0x1, s1  }
0x8c: {  	s17 =	sshll.u32 s0, $0xA;
	s2 =	sadd.s32 s3, s2  }
0x8d: {  	s2 =	sadd.s32 s2, s17  }
0x8e: {  	[smem:$0x3FC5] =	sst s2  }
0x8f: {  	_ = 	snop  }
0x90: {  	s18 =	sld [smem:$0x3FC8];
	(tm) =	ssettm $0x1  }
0x91: {  	s19 =	sld [smem:$0x3FFB];
	_ =	sdelay $0x3  }
0x92: {  	_ =	strace s19  }
0x93: {  	s2 =	sld [smem:$0x3FFC];
	_ =	sdelay $0x3  }
0x94: {  	_ =	strace s2  }
0x95: {  	s2 =	sld [smem:$0x3FFD];
	_ =	sdelay $0x3  }
0x96: {  	_ =	strace s2  }
0x97: {  	_ =	strace $0x8FFFFFFF  }
0x98: {  	s20 =	sld [smem:$0x3FDB];
	_ =	sdelay $0x1  }
0x99: {  	s4 =	simm.s32 $_scs_section_size  }
0x9a: {  	s5 =	simm.s32 $_size__tile_overlayer_lowered;
	s6 =	simm.s32 $_tile_overlayer_lowered  }
0x9b: {  	s7 =	simm.s32 $0x1BFF;
	s21 =	sshll.u32 s6, $0x1;
	s4 =	sadd.s32 s4, s20  }
0x9c: {  	s22 =	simm.s32 $0x0;
	s5 =	sshll.u32 s5, $0x1;
	s6 =	sadd.s32 s21, s4  }
0x9d: {  	[timem:s22], [sflag:s7] =	dma.local [hbm:s6], s5  }
0x9e: {  	_ =	swait.ge [sflag:s7], s5  }
0x9f: {  	s5 =	ssub.s32 $0x0, s5;
	[sflag:s7] =	ssyncset.done $0x0  }
0xa0: {  	[sflag:s7] =	ssyncadd.s32 s5;
	_ =	sdelay $0x1  }
0xa1: {  	s23 =	simm.s32 $0x1B8B  }
0xa2: {  	_ =	swait.ge [sflag:s23], $0x1  }
0xa3: {  	[sflag:s23] =	ssyncset.done $0x0  }
0xa4: {  	[sflag:s23] =	ssyncadd.s32 $0xFFFFFFFF  }
0xa5: {  	s5 =	sld [smem:$0x0]  }
0xa6: {  	s6 =	sand.u32 $0xFFFFFFFE, s1  }
0xa7: {  	p0 =	sne.s32 s1, s6  }
0xa8: {  	s6 =	sshll.u32 @p0 s6, $0xE  }
0xa9: {  	s6 =	sadd.s32 @p0 $0x11B8D, s6;
	s7 =	sshll.u32 @p0 s5, $0x11  }
0xaa: {  	s6 =	sor.u32 @p0 s7, s6  }
0xab: {  	[sflag:s6] =	ssyncadd.remote.s32 @p0 $0x1;
	_ =	sdelay $0x1  }
0xac: {  	s6 =	simm.s32 @p0 $0x1B8D  }
0xad: {  	_ =	swait.eq @p0 [sflag:s6], $0x1  }
0xae: {  	[sflag:s6] =	ssyncadd.s32 @p0 $0xFFFFFFFF  }
0xaf: {  	s7 =	sshll.u32 @!p0 s1, $0xE  }
0xb0: {  	s7 =	sor.u32 @!p0 $0x4000, s7;
	s6 =	simm.s32 @!p0 $0x1B8D  }
0xb1: {  	s5 =	sshll.u32 @!p0 s5, $0x11;
	s7 =	sadd.s32 @!p0 $0x11B8D, s7;
	_ =	swait.eq @!p0 [sflag:s6], $0x1  }
0xb2: {  	s5 =	sor.u32 @!p0 s5, s7;
	[sflag:s6] =	ssyncadd.s32 @!p0 $0xFFFFFFFF  }
0xb3: {  	s25 =	simm.s32 $0x1B8E;
	s24 =	sld [smem:$0x3FFE];
	[sflag:s5] =	ssyncadd.remote.s32 @!p0 $0x1  }
0xb4: {  	s26 =	simm.s32 $execute0_lowered;
	[smem:$0x3FD2] =	sst s25  }
0xb5: {  	s6 =	sshll.u32 s26, $0x1;
	_ =	strace $0x80000049;
	[dreg:$0x1] =	wrdreg $0xFFFFFFFF  }
0xb6: {  	s28 =	simm.s32 $_size_execute0_lowered;
	s4 =	sadd.s32 s4, s6;
	[dreg:$0x0] =	wrdreg $0x0  }
0xb7: {  	s6 =	sshll.u32 s28, $0x1;
	[dreg:$0x2] =	wrdreg s4  }
0xb8: {  	[dreg:$0x3] =	wrdreg s6  }
0xb9: {  	[dreg:$0x4] =	wrdreg $0xC0  }
0xba: {  	_ =	task [dreg:s22], $0x5FFFF  }
0xbb: {  	[dreg:$0x1] =	wrdreg $0xFFFFFFFF  }
0xbc: {  	[dreg:$0x0] =	wrdreg $0x60  }
0xbd: {  	[dreg:$0x2] =	wrdreg s24  }
0xbe: {  	[dreg:$0x3] =	wrdreg s18  }
0xbf: {  	[dreg:$0x4] =	wrdreg $0xA  }
0xc0: {  	_ =	task.clear_ibuf [dreg:s22], $0x5FFFF;
	_ =	strace $0x90000049  }
0xc1: {  	s29 =	simm.s32 $0xA;
	_ =	strace $0x8000004B  }
0xc2: {  	_ =	swait.ge [sflag:s29], $0x1  }
0xc3: {  	[sflag:s29] =	ssyncadd.s32 $0xFFFFFFFF  }
0xc4: {  	_ =	strace $0x9000004B  }
0xc5: {  	_ =	sfence  }
0xc6: {  	s30 =	sld [smem:$0x0];
	_ =	sdelay $0x2  }
0xc7: {  	s31 =	sshll.u32 s1, $0xD;
	s1 =	sshrl.u32 s1, $0x2  }
0xc8: {  	s4 =	sand.u32 $0x4000, s31;
	s1 =	sadd.s32 s1, s30  }
0xc9: {  	s0 =	sor.u32 s4, s0;
	s1 =	sshll.u32 s1, $0x11  }
0xca: {  	s0 =	sor.u32 s1, s0  }
0xcb: {  	s0 =	sadd.s32 $0x8F2B, s0  }
0xcc: {  	[sflag:s0] =	ssyncadd.remote.s32 $0x1  }
0xcd: {  	_ =	sfence.sel $0xFFFF  }
0xce: {  	[dreg:$0x0] =	wrdreg $0xFFFFFFFF;
	(pc) =	sbr.abs _section_cstart, $3  }
0xcf: {  	[dreg:$0x1] =	wrdreg $0xFFFFFFFF  }
0xd0: {  	_ =	task.clear_ibuf [dreg:s22], $0x2FFFF;
	_ =	strace $0x9FFFFFFF  }
0xd1: {  	(tm) =	ssettm $0x7FFFFFFF  }
tec
execute0_lowered:
.L_overlay_start_1:
0x0: {  	(tag) =	ssettag $0x1  }
0x1: {  	s1 =	srdreg.scid  }
0x2: {  	s0 =	rddreg [dreg:$0x0];
	s2 =	stileid.u32;
	s1 =	sand.u32 $0x1, s1  }
0x3: {  	s2 =	sshll.u32 s2, $0x8;
	s4 =	sshll.u32 s1, $0x7;
	s1 =	ssub.s32 $0x2, s1  }
0x4: {  	v0 =	vimm.s32 $0xECA86420;
	s3 =	simm.s32 $0x0;
	vm0 =	vcmask $0xB08;
	s2 =	sor.u32 s4, s2;
	s5 =	sshrl.u32 s1, $0x1  }
0x5: {  	vm1 =	vcmask $0x1310;
	vm2 =	vcmask $0x1B18;
	vm11 =	vcmask $0x300;
	[smem:$0x7FF] =	sst s3;
	s4 =	sshrl.u32 s2, $0x3;
	s1 =	ssub.s32 s1, s5  }
0x6: {  	vm4 =	vcmask $0x2320;
	vm5 =	vcmask $0x2B28;
	vm6 =	vcmask $0x3330;
	_ =	strace $0x8000004A;
	s4 =	sadd.s32 s4, s0;
	s31 =	smax.u32 s1, $0x1  }
0x7: {  	vm7 =	vcmask $0x3B38;
	v1 =	vlaneseq.u32;
	vm8 =	vmmov $0xff;
	s2 =	sshll.u32 s2, $0x4;
	s29 =	sadd.s32 $0x2400, s4;
	[dreg:$0x7] =	wrdreg s31  }
0x8: {  	vm10 =	vcmask $0x704;
	vm12 =	vcmask $0x1714;
	v0 =	vunpack.c.l.s4.s8 v0;
	s0 =	sadd.s32 s2, s0;
	s30 =	sadd.s32 $0x2200, s4;
	[dreg:$0x4] =	wrdreg s29  }
0x9: {  	vm13 =	vcmask $0x1F1C;
	vm14 =	vcmask $0x2724;
	vm15 =	vcmask $0x2F2C;
	s1 =	simm.s32 $0x2;
	s0 =	sadd.s32 $0x2E00, s0;
	[dreg:$0x5] =	wrdreg s30  }
0xa: {  	vm3 =	vcmask $0x3734;
	v1 =	vmul.u32 $0x2, v1;
	v0 =	vunpack.c.0.s8.s32 v0;
	s2 =	simm.s32 $0x80;
	s4 =	simm.s32 $0x0;
	[dreg:$0x6] =	wrdreg s0  }
.LBB2_1:
0xb: {  	[dreg:$0x8] =	wrdreg s4  }
0xc: {  	s0 =	rddreg [dreg:$0x4]  }
0xd: {  	[tilespmem:s3], [sflag:$0x2] =	stream.linear.gather [hbm4b:s0+s3], $0x80, $0x38;
	[tilespmem:$0x4100] =	vst v63  }
0xe: {  	_ =	swait.ge [sflag:s1], $0x80  }
0xf: {  	[sflag:s1] =	ssyncset.done $0x0  }
0x10: {  	s20 =	rddreg [dreg:$0x5];
	[sflag:s1] =	ssyncadd.s32 $0xFFFFFF80  }
0x11: {  	[tilespmem:s2], [sflag:$0x2] =	stream.linear.gather [hbm4b:s20+s3], $0x80, $0x38;
	[tilespmem:$0x4100] =	vst v63  }
0x12: {  	_ =	swait.ge [sflag:s1], $0x80  }
0x13: {  	[sflag:s1] =	ssyncset.done $0x0  }
0x14: {  	s13 =	simm.s32 $0x0;
	[sflag:s1] =	ssyncadd.s32 $0xFFFFFF80  }
0x15: {  	v2 =	vld [tilespmem:s13+$0x80];
	_ =	sdelay $0x1  }
0x16: {  	v3 =	vld [tilespmem:s13+$0x0];
	_ =	sdelay $0x2  }
0x17: {  	v2 =	vmul.u32 $0x3F1, v2;
	_ =	sdelay $0x1  }
0x18: {  	v2 =	vadd.s32 v3, v2  }
0x19: {  	(v2sf) =	vpush v2, $0x7;
	_ =	sdelay $0x1  }
0x1a: {  	(v2sf) =	vpush v2, $0x0  }
0x1b: {  	(v2sf) =	vpush v2, $0x1;
	_ =	sdelay $0x1  }
0x1c: {  	(v2sf) =	vpush v2, $0x2;
	_ =	sdelay $0x1  }
0x1d: {  	(v2sf) =	vpush v2, $0x3  }
0x1e: {  	(v2sf) =	vpush v2, $0x4;
	_ =	sdelay $0x2  }
0x1f: {  	(v2sf) =	vpush v2, $0xC  }
0x20: {  	(v2sf) =	vpush v2, $0x8;
	_ =	sdelay $0x2  }
0x21: {  	s21 =	spop (v2sf)  }
0x22: {  	(v2sf) =	vpush v2, $0xD;
	s22 =	smulhi.u32 $0x14F8B589, s21;
	s0 =	sshra.s32 s21, $0x1F  }
0x23: {  	s23 =	spop (v2sf);
	s0 =	smul.u32 $0x14F8B589, s0  }
0x24: {  	(v2sf) =	vpush v2, $0xE;
	s24 =	spop (v2sf);
	s2 =	smulhi.u32 $0x14F8B589, s23  }
0x25: {  	(v2sf) =	vpush v2, $0x9;
	s7 =	sshra.s32 s23, $0x1F;
	s5 =	smulhi.u32 $0x14F8B589, s24  }
0x26: {  	s6 =	spop (v2sf);
	s7 =	smul.u32 $0x14F8B589, s7  }
0x27: {  	s4 =	sshra.s32 s24, $0x1F;
	s9 =	smulhi.u32 $0x14F8B589, s6  }
0x28: {  	(v2sf) =	vpush v2, $0xA;
	s6 =	sshra.s32 s6, $0x1F;
	s4 =	smul.u32 $0x14F8B589, s4;
	s15 =	spop (v2sf)  }
0x29: {  	s14 =	sadd.s32 s0, s22;
	s25 =	smul.u32 $0x14F8B589, s6;
	s26 =	spop (v2sf)  }
0x2a: {  	s8 =	sshra.s32 s15, $0x1F;
	s15 =	smulhi.u32 $0x14F8B589, s15;
	s2 =	sadd.s32 s7, s2  }
0x2b: {  	(v2sf) =	vpush v2, $0xF;
	s16 =	sshra.s32 s26, $0x1F;
	s4 =	sadd.s32 s4, s5;
	s6 =	smul.u32 $0x14F8B589, s8  }
0x2c: {  	s17 =	spop (v2sf);
	s1 =	smulhi.u32 $0x14F8B589, s26;
	s7 =	sshra.s32 s2, $0x1F  }
0x2d: {  	(v2sf) =	vpush v2, $0xB;
	s5 =	smul.u32 $0x14F8B589, s16;
	s10 =	sshra.s32 s4, $0xD;
	s18 =	spop (v2sf)  }
0x2e: {  	s16 =	sshra.s32 s4, $0x1F;
	s19 =	sshra.s32 s17, $0x1F;
	s12 =	smulhi.u32 $0x14F8B589, s17  }
0x2f: {  	s0 =	sadd.s32 s25, s9;
	s20 =	sshrl.u32 s4, $0x1F;
	s21 =	smulhi.u32 $0x14F8B589, s18  }
0x30: {  	(v2sf) =	vpush v2, $0x6;
	[dreg:$0x9] =	wrdreg s10;
	s11 =	smul.u32 $0x14F8B589, s19;
	s18 =	sshra.s32 s18, $0x1F  }
0x31: {  	s22 =	spop (v2sf);
	s19 =	sshra.s32 s0, $0xD;
	s17 =	sshrl.u32 s0, $0x1F  }
0x32: {  	s6 =	sadd.s32 s6, s15;
	s23 =	smul.u32 $0x14F8B589, s18;
	s18 =	sshra.s32 s0, $0x1F  }
0x33: {  	(v2sf) =	vpush v2, $0x5;
	s31 =	smulhi.u32 $0x14F8B589, s22;
	s0 =	spop (v2sf);
	s24 =	sshra.s32 s22, $0x1F  }
0x34: {  	s29 =	sshrl.u32 s6, $0x1F;
	s22 =	spop (v2sf);
	s25 =	sshra.s32 s0, $0x1F  }
0x35: {  	s4 =	sadd.s32 s11, s12;
	s0 =	smulhi.u32 $0x14F8B589, s0;
	s28 =	sshra.s32 s22, $0x1F  }
0x36: {  	s21 =	sadd.s32 s23, s21;
	s23 =	sadd.s32 s5, s1;
	s5 =	smulhi.u32 $0x14F8B589, s22  }
0x37: {  	s10 =	sshrl.u32 s4, $0x1F;
	s15 =	smul.u32 $0x14F8B589, s28;
	s26 =	spop (v2sf)  }
0x38: {  	s4 =	sshra.s32 s4, $0xD;
	s9 =	smulhi.u32 $0x14F8B589, s26;
	s26 =	sshra.s32 s26, $0x1F  }
0x39: {  	s8 =	sshrl.u32 s21, $0x1F;
	s12 =	sshra.s32 s21, $0xD;
	s3 =	smul.u32 $0x14F8B589, s26  }
0x3a: {  	v5 =	vmov s12;
	s12 =	rddreg [dreg:$0x9];
	s11 =	spop (v2sf);
	s26 =	sshra.s32 s6, $0xD  }
0x3b: {  	v3 =	vmov s10;
	s10 =	sshra.s32 s11, $0x1F;
	s22 =	sadd.s32 s3, s9;
	s9 =	smul.u32 $0x14F8B589, s25  }
0x3c: {  	s25 =	sshra.s32 s6, $0x1F;
	s3 =	spop (v2sf);
	s6 =	sadd.s32 s15, s5  }
0x3d: {  	s5 =	sshra.s32 s14, $0x1F;
	s15 =	simm.s32 $0x40;
	s30 =	smulhi.u32 $0x14F8B589, s3  }
0x3e: {  	s1 =	sshra.s32 s3, $0x1F;
	s21 =	sadd.s32 s9, s0;
	s9 =	smul.u32 $0x14F8B589, s24  }
0x3f: {  	v4 =	vmov s5;
	s5 =	spop (v2sf);
	s24 =	sshra.s32 s2, $0xD;
	s0 =	smulhi.u32 $0x14F8B589, s11  }
0x40: {  	v6 =	vmov s8;
	s3 =	sshrl.u32 s2, $0x1F;
	s28 =	smulhi.u32 $0x14F8B589, s5;
	s2 =	sshra.s32 s23, $0xD;
	v7 =	vsel vm11, s24, v4  }
0x41: {  	v8 =	vmov s3;
	s11 =	sshra.s32 s6, $0xD;
	s24 =	sshrl.u32 s22, $0x1F;
	v4 =	vmov s4;
	v9 =	vsel vm10, s7, v7;
	s4 =	sadd.s32 s9, s31  }
0x42: {  	v5 =	vsel vm0, s11, v5;
	s9 =	sshra.s32 s23, $0x1F;
	s7 =	smul.u32 $0x14F8B589, s10;
	v7 =	vnsel vm11, $0x0, v8;
	s31 =	spop (v2sf);
	v8 =	vsel vm0, s12, v9  }
.LBB2_2:
0x43: {  	vm9 =	vcmask $0xF0C  }
0x44: {  	s3 =	sshrl.u32 s6, $0x1F;
	v7 =	vsel vm0, s20, v7;
	s12 =	sshra.s32 s31, $0x1F;
	s8 =	sshra.s32 s4, $0xD;
	v8 =	vsel vm9, s16, v8  }
0x45: {  	s20 =	smulhi.u32 $0x14F8B589, s31;
	s5 =	sshra.s32 s5, $0x1F;
	s10 =	sshra.s32 s21, $0xD;
	v6 =	vsel vm0, s3, v6;
	v7 =	vsel vm1, s17, v7;
	v8 =	vsel vm1, s19, v8  }
0x46: {  	s1 =	smul.u32 $0x14F8B589, s1;
	s11 =	sshrl.u32 s23, $0x1F;
	v4 =	vsel vm0, s8, v4;
	s17 =	sshra.s32 s22, $0xD;
	v7 =	vsel vm2, s29, v7;
	v8 =	vsel vm12, s18, v8  }
0x47: {  	s23 =	sshrl.u32 s21, $0x1F;
	s0 =	sadd.s32 s7, s0;
	s6 =	smul.u32 $0x14F8B589, s12;
	v4 =	vsel vm1, s10, v4;
	v5 =	vsel vm1, s17, v5;
	v8 =	vsel vm2, s26, v8  }
0x48: {  	s12 =	sshra.s32 s0, $0xD;
	s1 =	sadd.s32 s1, s30;
	s19 =	sshrl.u32 s4, $0x1F;
	v6 =	vsel vm1, s24, v6;
	v7 =	vsel vm4, s11, v7;
	v8 =	vsel vm13, s25, v8  }
0x49: {  	s5 =	smul.u32 $0x14F8B589, s5;
	s3 =	sadd.s32 s6, s20;
	v4 =	vsel vm2, s12, v4;
	s20 =	sshrl.u32 s1, $0x1F;
	v3 =	vsel vm0, s19, v3;
	v8 =	vsel vm4, s2, v8  }
0x4a: {  	s6 =	sshra.s32 s1, $0xD;
	s18 =	sshrl.u32 s3, $0x1F;
	s22 =	sshra.s32 s3, $0xD;
	v3 =	vsel vm1, s23, v3;
	v6 =	vsel vm2, s20, v6;
	v8 =	vsel vm14, s9, v8  }
0x4b: {  	s0 =	sshrl.u32 s0, $0x1F;
	s5 =	sadd.s32 s5, s28;
	s3 =	sshra.s32 s3, $0x1F;
	v5 =	vsel vm2, s6, v5;
	v7 =	vsel vm5, s18, v7;
	v8 =	vsel vm5, s22, v8  }
0x4c: {  	s26 =	sshra.s32 s5, $0xD;
	s25 =	sshrl.u32 s5, $0x1F;
	v3 =	vsel vm2, s0, v3;
	v4 =	vcombine.low v5, v4;
	v8 =	vsel vm15, s3, v8  }
0x4d: {  	s8 =	sshrl.u32 s14, $0x1F;
	s7 =	sshra.s32 s5, $0x1F;
	v3 =	vcombine.low v6, v3;
	v6 =	vsel vm6, s25, v7;
	v8 =	vsel vm6, s26, v8  }
0x4e: {  	s9 =	sshra.s32 s14, $0xD;
	v6 =	vsel vm7, s8, v6;
	v7 =	vsel vm3, s7, v8  }
0x4f: {  	v4 =	vperm.xlane v4, v0;
	v6 =	vperm.xlane v6, v1;
	v7 =	vsel vm7, s9, v7  }
0x50: {  	v3 =	vperm.xlane v3, v0;
	v5 =	vperm.xlane v7, v1;
	_ =	sdelay $0x1  }
0x51: {  	v3 =	vsel vm8, v6, v3;
	v4 =	vsel vm8, v5, v4  }
0x52: {  	v3 =	vadd.s32 v3, v4  }
0x53: {  	v3 =	vmul.u32 $0x186A0, v3;
	_ =	sdelay $0x1  }
0x54: {  	v2 =	vsub.s32 v2, v3  }
0x55: {  	vm9 =	vlt.s32 v2, $0x0;
	v3 =	vadd.s32 $0x186A0, v2  }
0x56: {  	s16 =	smov.u32 s15;
	v2 =	vsel vm9, v3, v2  }
0x57: {  	s16 =	sshra.s32 s16, $0x2;
	[tilespmem:s13+$0x80] =	vst v2  }
0x58: {  	v2 =	vld [tilespmem:s16+$0x80];
	_ =	sdelay $0x1  }
0x59: {  	v3 =	vld [tilespmem:s16+$0x0];
	_ =	sdelay $0x2  }
0x5a: {  	v2 =	vmul.u32 $0x3F1, v2;
	_ =	sdelay $0x1  }
0x5b: {  	v2 =	vadd.s32 v3, v2  }
0x5c: {  	(v2sf) =	vpush v2, $0x7;
	_ =	sdelay $0x1  }
0x5d: {  	(v2sf) =	vpush v2, $0x0  }
0x5e: {  	(v2sf) =	vpush v2, $0x1;
	_ =	sdelay $0x1  }
0x5f: {  	(v2sf) =	vpush v2, $0x2;
	_ =	sdelay $0x2  }
0x60: {  	(v2sf) =	vpush v2, $0x3;
	_ =	sdelay $0x1  }
0x61: {  	(v2sf) =	vpush v2, $0x4  }
0x62: {  	(v2sf) =	vpush v2, $0xC;
	_ =	sdelay $0x2  }
0x63: {  	(v2sf) =	vpush v2, $0x8  }
0x64: {  	s10 =	spop (v2sf)  }
0x65: {  	s11 =	smulhi.u32 $0x14F8B589, s10;
	s12 =	sshra.s32 s10, $0x1F  }
0x66: {  	(v2sf) =	vpush v2, $0xD;
	s13 =	spop (v2sf);
	s2 =	smul.u32 $0x14F8B589, s12  }
0x67: {  	(v2sf) =	vpush v2, $0xE;
	s17 =	spop (v2sf);
	s1 =	smulhi.u32 $0x14F8B589, s13  }
0x68: {  	(v2sf) =	vpush v2, $0x9;
	s0 =	sshra.s32 s13, $0x1F;
	s18 =	smulhi.u32 $0x14F8B589, s17  }
0x69: {  	s19 =	spop (v2sf);
	s28 =	smul.u32 $0x14F8B589, s0  }
0x6a: {  	p0 =	sne.s32 s15, $0x1C0;
	s4 =	sshra.s32 s17, $0x1F;
	s20 =	smulhi.u32 $0x14F8B589, s19  }
0x6b: {  	s15 =	sadd.s32 $0x40, s15;
	(v2sf) =	vpush v2, $0xA;
	s6 =	sshra.s32 s19, $0x1F;
	s21 =	smul.u32 $0x14F8B589, s4  }
0x6c: {  	s14 =	sadd.s32 s2, s11;
	s22 =	spop (v2sf);
	s6 =	smul.u32 $0x14F8B589, s6  }
0x6d: {  	s2 =	sshra.s32 s14, $0x1F;
	s8 =	sshra.s32 s22, $0x1F;
	s9 =	smulhi.u32 $0x14F8B589, s22  }
0x6e: {  	v5 =	vmov s2;
	s2 =	spop (v2sf);
	s5 =	sadd.s32 s21, s18;
	s8 =	smul.u32 $0x14F8B589, s8  }
0x6f: {  	(v2sf) =	vpush v2, $0xF;
	s23 =	sshra.s32 s2, $0x1F;
	s24 =	sshra.s32 s5, $0xD;
	s25 =	spop (v2sf)  }
0x70: {  	s31 =	sshra.s32 s5, $0x1F;
	s6 =	sadd.s32 s6, s20;
	s2 =	smulhi.u32 $0x14F8B589, s2  }
0x71: {  	s20 =	sshrl.u32 s5, $0x1F;
	s10 =	smul.u32 $0x14F8B589, s23;
	[dreg:$0x3] =	wrdreg s24  }
0x72: {  	s26 =	spop (v2sf);
	s11 =	sshra.s32 s25, $0x1F;
	s23 =	smulhi.u32 $0x14F8B589, s25  }
0x73: {  	s19 =	sshra.s32 s6, $0xD;
	s17 =	sshrl.u32 s6, $0x1F;
	s12 =	smulhi.u32 $0x14F8B589, s26  }
0x74: {  	s18 =	sshra.s32 s6, $0x1F;
	s13 =	smul.u32 $0x14F8B589, s11;
	s3 =	sshra.s32 s26, $0x1F  }
0x75: {  	(v2sf) =	vpush v2, $0xB;
	s8 =	sadd.s32 s8, s9;
	s22 =	spop (v2sf);
	s3 =	smul.u32 $0x14F8B589, s3  }
0x76: {  	(v2sf) =	vpush v2, $0x6;
	s29 =	sshrl.u32 s8, $0x1F;
	s4 =	smulhi.u32 $0x14F8B589, s22;
	s6 =	spop (v2sf)  }
0x77: {  	s11 =	sshra.s32 s22, $0x1F;
	s21 =	sshra.s32 s6, $0x1F;
	s22 =	spop (v2sf);
	(v2sf) =	vpush v2, $0x5  }
0x78: {  	s5 =	sadd.s32 s13, s23;
	s6 =	smulhi.u32 $0x14F8B589, s6;
	s24 =	sshra.s32 s22, $0x1F  }
0x79: {  	s26 =	sshrl.u32 s5, $0x1F;
	s3 =	sadd.s32 s3, s12;
	s5 =	sshra.s32 s5, $0xD  }
0x7a: {  	s9 =	smul.u32 $0x14F8B589, s21;
	s12 =	sshrl.u32 s3, $0x1F;
	s25 =	spop (v2sf)  }
0x7b: {  	s3 =	sshra.s32 s3, $0xD;
	s7 =	smulhi.u32 $0x14F8B589, s25;
	s23 =	sshra.s32 s25, $0x1F  }
0x7c: {  	v3 =	vmov s26;
	v6 =	vmov s12;
	s12 =	sadd.s32 s28, s1;
	s21 =	sadd.s32 s9, s6;
	s26 =	smul.u32 $0x14F8B589, s23  }
0x7d: {  	s9 =	sshra.s32 s12, $0x1F;
	s23 =	sadd.s32 s10, s2;
	s2 =	smulhi.u32 $0x14F8B589, s22  }
0x7e: {  	s25 =	sshra.s32 s8, $0x1F;
	s13 =	spop (v2sf);
	s10 =	smul.u32 $0x14F8B589, s24  }
0x7f: {  	s0 =	smulhi.u32 $0x14F8B589, s13;
	s22 =	sadd.s32 s26, s7;
	s26 =	sshra.s32 s8, $0xD  }
0x80: {  	s6 =	sadd.s32 s10, s2;
	s10 =	smul.u32 $0x14F8B589, s11;
	s11 =	sshra.s32 s12, $0xD  }
0x81: {  	s8 =	sshrl.u32 s12, $0x1F;
	s2 =	sshra.s32 s23, $0xD;
	s12 =	sshra.s32 s13, $0x1F  }
.Ltmp0:
0x82: {  	s13 =	smov.u32 s16;
	s16 =	smov.u32 s31;
	(pc) =	sbr.rel @p0 .LBB2_2-.Ltmp0, $4  }
0x83: {  	v5 =	vsel vm11, s11, v5;
	s11 =	sshra.s32 s6, $0xD;
	s7 =	smul.u32 $0x14F8B589, s12;
	s12 =	rddreg [dreg:$0x3]  }
0x84: {  	v9 =	vsel vm10, s9, v5;
	s9 =	sshra.s32 s23, $0x1F;
	s4 =	sadd.s32 s10, s4;
	s24 =	spop (v2sf)  }
0x85: {  	v4 =	vmov s5;
	v8 =	vmov s3;
	v7 =	vmov s8;
	s1 =	sshra.s32 s24, $0x1F;
	s30 =	smulhi.u32 $0x14F8B589, s24;
	s5 =	spop (v2sf)  }
0x86: {  	v7 =	vnsel vm11, $0x0, v7;
	v5 =	vsel vm0, s11, v8;
	v8 =	vsel vm0, s12, v9;
	s24 =	sshrl.u32 s22, $0x1F;
	s28 =	smulhi.u32 $0x14F8B589, s5;
	s31 =	spop (v2sf)  }
0x87: {  	vm9 =	vcmask $0xF0C  }
0x88: {  	s3 =	sshra.s32 s31, $0x1F;
	s8 =	smulhi.u32 $0x14F8B589, s31;
	s6 =	sshrl.u32 s6, $0x1F;
	v8 =	vsel vm9, s16, v8  }
0x89: {  	v7 =	vsel vm0, s20, v7;
	s0 =	sadd.s32 s7, s0;
	s1 =	smul.u32 $0x14F8B589, s1;
	s31 =	sshra.s32 s4, $0xD;
	v6 =	vsel vm0, s6, v6;
	v8 =	vsel vm1, s19, v8  }
0x8a: {  	s5 =	sshra.s32 s5, $0x1F;
	s11 =	sshra.s32 s22, $0xD;
	s15 =	sshrl.u32 s4, $0x1F;
	v7 =	vsel vm1, s17, v7;
	v4 =	vsel vm0, s31, v4;
	v8 =	vsel vm12, s18, v8  }
0x8b: {  	s7 =	sshra.s32 s21, $0xD;
	s3 =	smul.u32 $0x14F8B589, s3;
	s10 =	sshra.s32 s0, $0xD;
	v5 =	vsel vm1, s11, v5;
	v3 =	vsel vm0, s15, v3;
	v8 =	vsel vm2, s26, v8  }
0x8c: {  	s5 =	smul.u32 $0x14F8B589, s5;
	s0 =	sshrl.u32 s0, $0x1F;
	v7 =	vsel vm2, s29, v7;
	s1 =	sadd.s32 s1, s30;
	v4 =	vsel vm1, s7, v4;
	v8 =	vsel vm13, s25, v8  }
0x8d: {  	v6 =	vsel vm1, s24, v6;
	s3 =	sadd.s32 s3, s8;
	s8 =	sshrl.u32 s23, $0x1F;
	v4 =	vsel vm2, s10, v4;
	s18 =	sshrl.u32 s21, $0x1F;
	v8 =	vsel vm4, s2, v8  }
0x8e: {  	s19 =	sshrl.u32 s1, $0x1F;
	s1 =	sshra.s32 s1, $0xD;
	v7 =	vsel vm4, s8, v7;
	s16 =	sshra.s32 s3, $0xD;
	v3 =	vsel vm1, s18, v3;
	v8 =	vsel vm14, s9, v8  }
0x8f: {  	s17 =	sadd.s32 s5, s28;
	s12 =	sshrl.u32 s3, $0x1F;
	s3 =	sshra.s32 s3, $0x1F;
	v6 =	vsel vm2, s19, v6;
	v5 =	vsel vm2, s1, v5;
	v8 =	vsel vm5, s16, v8  }
0x90: {  	s20 =	sshra.s32 s17, $0xD;
	s21 =	sshrl.u32 s17, $0x1F;
	v7 =	vsel vm5, s12, v7;
	v3 =	vsel vm2, s0, v3;
	v8 =	vsel vm15, s3, v8  }
0x91: {  	s23 =	sshrl.u32 s14, $0x1F;
	s22 =	sshra.s32 s17, $0x1F;
	v4 =	vcombine.low v5, v4;
	v7 =	vsel vm6, s21, v7;
	v8 =	vsel vm6, s20, v8  }
0x92: {  	s24 =	sshra.s32 s14, $0xD;
	v3 =	vcombine.low v6, v3;
	v7 =	vsel vm7, s23, v7;
	v61 =	vsel vm3, s22, v8  }
0x93: {  	v4 =	vperm.xlane v4, v0;
	v63 =	vperm.xlane v7, v1;
	v62 =	vsel vm7, s24, v61  }
0x94: {  	v3 =	vperm.xlane v3, v0;
	v5 =	vperm.xlane v62, v1;
	_ =	sdelay $0x1  }
0x95: {  	v3 =	vsel vm8, v63, v3;
	v4 =	vsel vm8, v5, v4  }
0x96: {  	v3 =	vadd.s32 v3, v4  }
0x97: {  	v3 =	vmul.u32 $0x186A0, v3;
	_ =	sdelay $0x1  }
0x98: {  	v2 =	vsub.s32 v2, v3  }
0x99: {  	vm9 =	vlt.s32 v2, $0x0;
	v3 =	vadd.s32 $0x186A0, v2  }
0x9a: {  	s28 =	simm.s32 $0x1;
	v2 =	vsel vm9, v3, v2  }
0x9b: {  	s26 =	simm.s32 $0x100;
	s25 =	rddreg [dreg:$0x1];
	s2 =	simm.s32 $0x80;
	[tilespmem:s13+$0x80] =	vst v2  }
0x9c: {  	[tilespmem:s26], [sflag:$0x1] =	stream.indirect.gather [hbm4b:s25+s2], $0x80, s2, s2, $0xb8;
	[tilespmem:$0x4100] =	vst v63  }
0x9d: {  	_ =	swait.ge [sflag:s28], $0x4000  }
0x9e: {  	s1 =	simm.s32 $0x2;
	[sflag:s28] =	ssyncset.done $0x0  }
0x9f: {  	s3 =	simm.s32 $0x0;
	s29 =	rddreg [dreg:$0x6];
	[sflag:s28] =	ssyncadd.s32 $0xFFFFC000  }
0xa0: {  	[hbm4b:s29+s3] =	stream.linear.scatter [tilespmem:s26], [sflag:$0x2], $0x4000, $0x38;
	[tilespmem:$0x4100] =	vst v63  }
0xa1: {  	_ =	swait.ge [sflag:s1], $0x4000  }
0xa2: {  	s30 =	rddreg [dreg:$0x8]  }
0xa3: {  	s31 =	rddreg [dreg:$0x7];
	s4 =	sadd.s32 $0x1, s30  }
0xa4: {  	p0 =	sne.s32 s4, s31  }
.Ltmp1:
0xa5: {  	_ = 	snop;
	(pc) =	sbr.rel @p0 .LBB2_1-.Ltmp1, $3  }
0xa6: {  	_ =	sdelay $0x1  }
0xa7: {  	[sflag:s1] =	ssyncset.done $0x0  }
0xa8: {  	[sflag:s1] =	ssyncadd.s32 $0xFFFFC000  }
0xa9: {  	_ =	sfence.sel $0x180000  }
0xaa: {  	[bflag:$0x0] =	sbarrier.arrive $0xFFFF  }
0xab: {  	_ =	strace $0x9000004A  }
0xac: {  	s0 =	stileid.u32;
	[bflag:$0x2] =	sbarrier.arrive $0xFFFF  }
0xad: {  	p0 =	sne.s32 s0, $0x0;
	s0 =	rddreg [dreg:$0x2]  }
0xae: {  	s0 =	sadd.s32 @!p0 $0x100000, s0  }
0xaf: {  	[sflag:s0] =	ssyncadd.tile.s32 @!p0 $0x1;
	_ =	shalt  }
.Lfunc_end2:
_tile_overlayer_lowered:
.L_overlay_start_2:
0xb0: {  	(tag) =	ssettag $0x2  }
0xb1: {  	s0 =	rddreg [dreg:$0x0];
	s2 =	stileid.u32  }
0xb2: {  	s1 =	rddreg [dreg:$0x1];
	p0 =	sne.s32 s2, $0x0  }
0xb3: {  	s3 =	rddreg [dreg:$0x2];
	[bflag:$0x3] =	sbarrier.arrive $0xFFFF;
	s2 =	simm.s32 @!p0 $0x1C02  }
0xb4: {  	[timem:s3], [sflag:s2] =	dma.local @!p0 [hbm:s0], s1  }
0xb5: {  	s0 =	simm.s32 @!p0 $0x2  }
0xb6: {  	_ =	swait.ge @!p0 [sflag:s0], s1  }
0xb7: {  	s1 =	ssub.s32 @!p0 $0x0, s1;
	[sflag:s0] =	ssyncset.done @!p0 $0x0  }
0xb8: {  	[sflag:s0] =	ssyncadd.s32 @!p0 s1  }
0xb9: {  	[bflag:$0x3] =	sbarrier.arrive $0xFFFF  }
0xba: {  	_ =	shalt  }

// kernel: kernel.16.cloned.1.call-start
scs
__scs_entry_jumppad:
0x0: {  	(pc) =	sbr.rel $0x88, $3  }
0x1: {  	(tag) =	ssettag $0x0;
	lr =	simm.s32 $0x1  }
0x2: {  	[smem:$0x3F9E] =	sst lr;
	_ =	strace $0xD0000000  }
0x3: {  	_ = 	snop  }
0x4: {  	_ = 	snop  }
0x5: {  	_ = 	snop  }
0x6: {  	_ = 	snop  }
0x7: {  	_ = 	snop  }
__scs_overlays_trampoline_lowered:
0x8: {  	[smem:$0x3FAD] =	sst s0  }
0x9: {  	[smem:$0x3FAE] =	sst s1  }
0xa: {  	[smem:$0x3FAF] =	sst s2  }
0xb: {  	[smem:$0x3FB0] =	sst s3  }
0xc: {  	[smem:$0x3FB1] =	sst s4  }
0xd: {  	[smem:$0x3FB2] =	sst s5  }
0xe: {  	[smem:$0x3FB3] =	sst s6  }
0xf: {  	[smem:$0x3FB4] =	sst s7  }
0x10: {  	[smem:$0x3FB5] =	sst s8  }
0x11: {  	[smem:$0x3FB6] =	sst s9;
	s0 =	simm.s32 @!p0 $0x0  }
0x12: {  	s1 =	sld [smem:$0x3F9C];
	s0 =	simm.s32 @p0 $0x1  }
0x13: {  	[smem:$0x3FB7] =	sst s0;
	s0 =	simm.s32 @!p1 $0x0  }
0x14: {  	s2 =	sld [smem:$0x3F9B];
	s0 =	simm.s32 @p1 $0x1  }
0x15: {  	[smem:$0x3FB8] =	sst s0;
	s0 =	simm.s32 @!p2 $0x0  }
0x16: {  	s3 =	sld [smem:$0x3FDB];
	s0 =	simm.s32 @p2 $0x1  }
0x17: {  	s4 =	simm.s32 $0x1BF5;
	[smem:$0x3FBA] =	sst s0  }
0x18: {  	s0 =	sld [smem:$0x3F9D];
	_ =	swait.ge [sflag:s4], $0x0  }
0x19: {  	s7 =	sld [smem:$0x3F9E]  }
0x1a: {  	s8 =	sadd.s32 $0xFFFFE003, lr  }
0x1b: {  	s9 =	sadd.s32 $0xFFFFFEF7, lr;
	s5 =	simm.s32 $0xFFFFFFFF;
	p2 =	slt.u32 s8, $0xFFFFF086  }
0x1c: {  	p1 =	slt.u32 s9, $0xF7A;
	s5 =	simm.s32 @!p2 $0x0  }
0x1d: {  	s5 =	simm.s32 @p1 $0x1;
	p0 =	seq.s32 s7, s2  }
0x1e: {  	s7 =	smul.u32 @!p0 $0xF7A, s2;
	p2 =	seq.s32 @!p0 s5, $0x0  }
0x1f: {  	s9 =	smul.u32 $0xF7A, s1;
	s8 =	simm.s32 @!p0 $0x1BF5;
	p2 =	por !p2, p0  }
0x20: {  	[sflag:s8] =	ssyncset.s32 @!p0 $0xFFFFF086;
	s6 =	sadd.s32 @!p0 s3, s7;
	s7 =	simm.s32 @!p0 $0x108  }
0x21: {  	s3 =	sadd.s32 s3, s9;
	s6 =	sadd.s32 @!p0 $0x88, s6;
	s7 =	simm.s32 @p2 $0x1082  }
0x22: {  	[simem:s7], [sflag:s8] =	dma.local @!p0 [hbm:s6], $0xF7A  }
0x23: {  	s9 =	sor.u32 $0xD0000000, s2;
	s6 =	simm.s32 $0x108;
	_ =	swait.ge @!p0 [sflag:s8], $0x0  }
0x24: {  	s3 =	sadd.s32 $0x88, s3;
	s6 =	simm.s32 @!p1 $0x1082;
	[sflag:s4] =	ssyncset.s32 $0xFFFFF086  }
0x25: {  	[simem:s6], [sflag:s4] =	dma.local [hbm:s3], $0xF7A  }
0x26: {  	[smem:$0x3F9E] =	sst s1;
	(tag) =	ssettag s2;
	_ =	strace s9  }
0x27: {  	s1 =	sld [smem:$0x3FAE]  }
0x28: {  	s2 =	sld [smem:$0x3FAF]  }
0x29: {  	s4 =	sld [smem:$0x3FB1]  }
0x2a: {  	p0 =	seq.s32 s5, $0x0;
	s5 =	sld [smem:$0x3FB2]  }
0x2b: {  	s6 =	sld [smem:$0x3FB3]  }
0x2c: {  	s7 =	sld [smem:$0x3FB4]  }
0x2d: {  	s3 =	simm.s32 $0x108;
	s8 =	sld [smem:$0x3FB5]  }
0x2e: {  	s3 =	simm.s32 @!p0 $0x1082;
	s9 =	sld [smem:$0x3FB6]  }
0x2f: {  	lr =	sadd.s32 s0, s3;
	s0 =	sld [smem:$0x3FAD]  }
0x30: {  	s3 =	sld [smem:$0x3FB0]  }
0x31: {  	[smem:$0x3FB9] =	sst s10  }
0x32: {  	s10 =	sld [smem:$0x3FB7];
	_ =	sdelay $0x3  }
0x33: {  	p0 =	seq.s32 s10, $0x1;
	s10 =	sld [smem:$0x3FB9];
	_ =	sdelay $0x3  }
0x34: {  	[smem:$0x3FB9] =	sst s10  }
0x35: {  	s10 =	sld [smem:$0x3FB8];
	_ =	sdelay $0x3  }
0x36: {  	p1 =	seq.s32 s10, $0x1;
	s10 =	sld [smem:$0x3FB9];
	_ =	sdelay $0x3  }
0x37: {  	[smem:$0x3FB9] =	sst s10  }
0x38: {  	s10 =	sld [smem:$0x3FBA]  }
0x39: {  	_ = 	snop;
	(pc) =	sbr.ind lr, $3  }
0x3a: {  	_ = 	snop  }
0x3b: {  	_ = 	snop  }
0x3c: {  	p2 =	seq.s32 s10, $0x1;
	s10 =	sld [smem:$0x3FB9]  }
0x3d: {  	_ =	shalt  }
0x3e: {  	_ =	shalt  }
0x3f: {  	_ =	shalt  }
0x40: {  	_ =	shalt  }
0x41: {  	_ =	shalt  }
0x42: {  	_ =	shalt  }
0x43: {  	_ =	shalt  }
0x44: {  	_ =	shalt  }
0x45: {  	_ =	shalt  }
0x46: {  	_ =	shalt  }
0x47: {  	_ =	shalt  }
0x48: {  	_ =	shalt  }
0x49: {  	_ =	shalt  }
0x4a: {  	_ =	shalt  }
0x4b: {  	_ =	shalt  }
0x4c: {  	_ =	shalt  }
0x4d: {  	_ =	shalt  }
0x4e: {  	_ =	shalt  }
0x4f: {  	_ =	shalt  }
0x50: {  	_ =	shalt  }
0x51: {  	_ =	shalt  }
0x52: {  	_ =	shalt  }
0x53: {  	_ =	shalt  }
0x54: {  	_ =	shalt  }
0x55: {  	_ =	shalt  }
0x56: {  	_ =	shalt  }
0x57: {  	_ =	shalt  }
0x58: {  	_ =	shalt  }
0x59: {  	_ =	shalt  }
0x5a: {  	_ =	shalt  }
0x5b: {  	_ =	shalt  }
0x5c: {  	_ =	shalt  }
0x5d: {  	_ =	shalt  }
0x5e: {  	_ =	shalt  }
0x5f: {  	_ =	shalt  }
0x60: {  	_ =	shalt  }
0x61: {  	_ =	shalt  }
0x62: {  	_ =	shalt  }
0x63: {  	_ =	shalt  }
0x64: {  	_ =	shalt  }
0x65: {  	_ =	shalt  }
0x66: {  	_ =	shalt  }
0x67: {  	_ =	shalt  }
0x68: {  	_ =	shalt  }
0x69: {  	_ =	shalt  }
0x6a: {  	_ =	shalt  }
0x6b: {  	_ =	shalt  }
0x6c: {  	_ =	shalt  }
0x6d: {  	_ =	shalt  }
0x6e: {  	_ =	shalt  }
0x6f: {  	_ =	shalt  }
0x70: {  	_ =	shalt  }
0x71: {  	_ =	shalt  }
0x72: {  	_ =	shalt  }
0x73: {  	_ =	shalt  }
0x74: {  	_ =	shalt  }
0x75: {  	_ =	shalt  }
0x76: {  	_ =	shalt  }
0x77: {  	_ =	shalt  }
0x78: {  	_ =	shalt  }
0x79: {  	_ =	shalt  }
0x7a: {  	_ =	shalt  }
0x7b: {  	_ =	shalt  }
0x7c: {  	_ =	shalt  }
0x7d: {  	_ =	shalt  }
0x7e: {  	_ =	shalt  }
0x7f: {  	_ =	shalt  }
0x80: {  	_ =	shalt  }
0x81: {  	_ =	shalt  }
0x82: {  	_ =	shalt  }
0x83: {  	_ =	shalt  }
0x84: {  	_ =	shalt  }
0x85: {  	_ =	shalt  }
0x86: {  	_ =	shalt  }
0x87: {  	_ =	shalt  }
.Lfunc_end0:
.L_simem_size_0:
called_computation.2_lowered:
.L_overlay_start_0:
0x88: {  	s2 =	sld [smem:$0x3FD9]  }
0x89: {  	s3 =	sld [smem:$0x3FFE];
	_ =	sdelay $0x1  }
0x8a: {  	s1 =	srdreg.scid  }
0x8b: {  	s0 =	sand.u32 $0x1, s1  }
0x8c: {  	s17 =	sshll.u32 s0, $0xA;
	s2 =	sadd.s32 s3, s2  }
0x8d: {  	s2 =	sadd.s32 s2, s17  }
0x8e: {  	[smem:$0x3FC5] =	sst s2  }
0x8f: {  	_ = 	snop  }
0x90: {  	s18 =	sld [smem:$0x3FC8];
	(tm) =	ssettm $0x1  }
0x91: {  	s19 =	sld [smem:$0x3FFB];
	_ =	sdelay $0x3  }
0x92: {  	_ =	strace s19  }
0x93: {  	s2 =	sld [smem:$0x3FFC];
	_ =	sdelay $0x3  }
0x94: {  	_ =	strace s2  }
0x95: {  	s2 =	sld [smem:$0x3FFD];
	_ =	sdelay $0x3  }
0x96: {  	_ =	strace s2  }
0x97: {  	_ =	strace $0x8FFFFFFF  }
0x98: {  	s20 =	sld [smem:$0x3FDB];
	_ =	sdelay $0x1  }
0x99: {  	s4 =	simm.s32 $_scs_section_size  }
0x9a: {  	s5 =	simm.s32 $_size__tile_overlayer_lowered;
	s6 =	simm.s32 $_tile_overlayer_lowered  }
0x9b: {  	s7 =	simm.s32 $0x1BFF;
	s21 =	sshll.u32 s6, $0x1;
	s4 =	sadd.s32 s4, s20  }
0x9c: {  	s22 =	simm.s32 $0x0;
	s5 =	sshll.u32 s5, $0x1;
	s6 =	sadd.s32 s21, s4  }
0x9d: {  	[timem:s22], [sflag:s7] =	dma.local [hbm:s6], s5  }
0x9e: {  	_ =	swait.ge [sflag:s7], s5  }
0x9f: {  	s5 =	ssub.s32 $0x0, s5;
	[sflag:s7] =	ssyncset.done $0x0  }
0xa0: {  	[sflag:s7] =	ssyncadd.s32 s5;
	_ =	sdelay $0x1  }
0xa1: {  	s23 =	simm.s32 $0x1B8B  }
0xa2: {  	_ =	swait.ge [sflag:s23], $0x1  }
0xa3: {  	[sflag:s23] =	ssyncset.done $0x0  }
0xa4: {  	[sflag:s23] =	ssyncadd.s32 $0xFFFFFFFF  }
0xa5: {  	s5 =	sld [smem:$0x0]  }
0xa6: {  	s6 =	sand.u32 $0xFFFFFFFE, s1  }
0xa7: {  	p0 =	sne.s32 s1, s6  }
0xa8: {  	s6 =	sshll.u32 @p0 s6, $0xE  }
0xa9: {  	s6 =	sadd.s32 @p0 $0x11B8D, s6;
	s7 =	sshll.u32 @p0 s5, $0x11  }
0xaa: {  	s6 =	sor.u32 @p0 s7, s6  }
0xab: {  	[sflag:s6] =	ssyncadd.remote.s32 @p0 $0x1;
	_ =	sdelay $0x1  }
0xac: {  	s6 =	simm.s32 @p0 $0x1B8D  }
0xad: {  	_ =	swait.eq @p0 [sflag:s6], $0x1  }
0xae: {  	[sflag:s6] =	ssyncadd.s32 @p0 $0xFFFFFFFF  }
0xaf: {  	s7 =	sshll.u32 @!p0 s1, $0xE  }
0xb0: {  	s7 =	sor.u32 @!p0 $0x4000, s7;
	s6 =	simm.s32 @!p0 $0x1B8D  }
0xb1: {  	s5 =	sshll.u32 @!p0 s5, $0x11;
	s7 =	sadd.s32 @!p0 $0x11B8D, s7;
	_ =	swait.eq @!p0 [sflag:s6], $0x1  }
0xb2: {  	s5 =	sor.u32 @!p0 s5, s7;
	[sflag:s6] =	ssyncadd.s32 @!p0 $0xFFFFFFFF  }
0xb3: {  	s25 =	simm.s32 $0x1B8E;
	s24 =	sld [smem:$0x3FFE];
	[sflag:s5] =	ssyncadd.remote.s32 @!p0 $0x1  }
0xb4: {  	s26 =	simm.s32 $execute0_lowered;
	[smem:$0x3FD2] =	sst s25  }
0xb5: {  	s6 =	sshll.u32 s26, $0x1;
	_ =	strace $0x8000004C;
	[dreg:$0x1] =	wrdreg $0xFFFFFFFF  }
0xb6: {  	s28 =	simm.s32 $_size_execute0_lowered;
	s4 =	sadd.s32 s4, s6;
	[dreg:$0x0] =	wrdreg $0x0  }
0xb7: {  	s6 =	sshll.u32 s28, $0x1;
	[dreg:$0x2] =	wrdreg s4  }
0xb8: {  	[dreg:$0x3] =	wrdreg s6  }
0xb9: {  	[dreg:$0x4] =	wrdreg $0xC0  }
0xba: {  	_ =	task [dreg:s22], $0x5FFFF  }
0xbb: {  	[dreg:$0x1] =	wrdreg $0xFFFFFFFF  }
0xbc: {  	[dreg:$0x0] =	wrdreg $0x60  }
0xbd: {  	[dreg:$0x2] =	wrdreg s24  }
0xbe: {  	[dreg:$0x3] =	wrdreg s18  }
0xbf: {  	[dreg:$0x4] =	wrdreg $0xB  }
0xc0: {  	_ =	task.clear_ibuf [dreg:s22], $0x5FFFF;
	_ =	strace $0x9000004C  }
0xc1: {  	s29 =	simm.s32 $0xB;
	_ =	strace $0x8000004E  }
0xc2: {  	_ =	swait.ge [sflag:s29], $0x1  }
0xc3: {  	[sflag:s29] =	ssyncadd.s32 $0xFFFFFFFF  }
0xc4: {  	_ =	strace $0x9000004E  }
0xc5: {  	_ =	sfence  }
0xc6: {  	s30 =	sld [smem:$0x0];
	_ =	sdelay $0x2  }
0xc7: {  	s31 =	sshll.u32 s1, $0xD;
	s1 =	sshrl.u32 s1, $0x2  }
0xc8: {  	s4 =	sand.u32 $0x4000, s31;
	s1 =	sadd.s32 s1, s30  }
0xc9: {  	s0 =	sor.u32 s4, s0;
	s1 =	sshll.u32 s1, $0x11  }
0xca: {  	s0 =	sor.u32 s1, s0  }
0xcb: {  	s0 =	sadd.s32 $0x8F2B, s0  }
0xcc: {  	[sflag:s0] =	ssyncadd.remote.s32 $0x1  }
0xcd: {  	_ =	sfence.sel $0xFFFF  }
0xce: {  	[dreg:$0x0] =	wrdreg $0xFFFFFFFF;
	(pc) =	sbr.abs _section_cstart, $3  }
0xcf: {  	[dreg:$0x1] =	wrdreg $0xFFFFFFFF  }
0xd0: {  	_ =	task.clear_ibuf [dreg:s22], $0x2FFFF;
	_ =	strace $0x9FFFFFFF  }
0xd1: {  	(tm) =	ssettm $0x7FFFFFFF  }
tec
execute0_lowered:
.L_overlay_start_1:
0x0: {  	(tag) =	ssettag $0x1  }
0x1: {  	s1 =	srdreg.scid  }
0x2: {  	s0 =	rddreg [dreg:$0x0];
	s2 =	stileid.u32;
	s1 =	sand.u32 $0x1, s1  }
0x3: {  	s2 =	sshll.u32 s2, $0x8;
	s4 =	sshll.u32 s1, $0x7;
	s1 =	ssub.s32 $0x2, s1  }
0x4: {  	v0 =	vimm.s32 $0xECA86420;
	s3 =	simm.s32 $0x0;
	vm0 =	vcmask $0xB08;
	s2 =	sor.u32 s4, s2;
	s5 =	sshrl.u32 s1, $0x1  }
0x5: {  	vm1 =	vcmask $0x1310;
	vm2 =	vcmask $0x1B18;
	vm11 =	vcmask $0x300;
	[smem:$0x7FF] =	sst s3;
	s4 =	sshrl.u32 s2, $0x3;
	s1 =	ssub.s32 s1, s5  }
0x6: {  	vm4 =	vcmask $0x2320;
	vm5 =	vcmask $0x2B28;
	vm6 =	vcmask $0x3330;
	_ =	strace $0x8000004D;
	s4 =	sadd.s32 s4, s0;
	s31 =	smax.u32 s1, $0x1  }
0x7: {  	vm7 =	vcmask $0x3B38;
	v1 =	vlaneseq.u32;
	vm8 =	vmmov $0xff;
	s2 =	sshll.u32 s2, $0x4;
	s29 =	sadd.s32 $0x2800, s4;
	[dreg:$0x7] =	wrdreg s31  }
0x8: {  	vm10 =	vcmask $0x704;
	vm12 =	vcmask $0x1714;
	v0 =	vunpack.c.l.s4.s8 v0;
	s0 =	sadd.s32 s2, s0;
	s30 =	sadd.s32 $0x2600, s4;
	[dreg:$0x4] =	wrdreg s29  }
0x9: {  	vm13 =	vcmask $0x1F1C;
	vm14 =	vcmask $0x2724;
	vm15 =	vcmask $0x2F2C;
	s1 =	simm.s32 $0x2;
	s0 =	sadd.s32 $0x12E00, s0;
	[dreg:$0x5] =	wrdreg s30  }
0xa: {  	vm3 =	vcmask $0x3734;
	v1 =	vmul.u32 $0x2, v1;
	v0 =	vunpack.c.0.s8.s32 v0;
	s2 =	simm.s32 $0x80;
	s4 =	simm.s32 $0x0;
	[dreg:$0x6] =	wrdreg s0  }
.LBB2_1:
0xb: {  	[dreg:$0x8] =	wrdreg s4  }
0xc: {  	s0 =	rddreg [dreg:$0x4]  }
0xd: {  	[tilespmem:s3], [sflag:$0x2] =	stream.linear.gather [hbm4b:s0+s3], $0x80, $0x38;
	[tilespmem:$0x4100] =	vst v63  }
0xe: {  	_ =	swait.ge [sflag:s1], $0x80  }
0xf: {  	[sflag:s1] =	ssyncset.done $0x0  }
0x10: {  	s20 =	rddreg [dreg:$0x5];
	[sflag:s1] =	ssyncadd.s32 $0xFFFFFF80  }
0x11: {  	[tilespmem:s2], [sflag:$0x2] =	stream.linear.gather [hbm4b:s20+s3], $0x80, $0x38;
	[tilespmem:$0x4100] =	vst v63  }
0x12: {  	_ =	swait.ge [sflag:s1], $0x80  }
0x13: {  	[sflag:s1] =	ssyncset.done $0x0  }
0x14: {  	s13 =	simm.s32 $0x0;
	[sflag:s1] =	ssyncadd.s32 $0xFFFFFF80  }
0x15: {  	v2 =	vld [tilespmem:s13+$0x80];
	_ =	sdelay $0x1  }
0x16: {  	v3 =	vld [tilespmem:s13+$0x0];
	_ =	sdelay $0x2  }
0x17: {  	v2 =	vmul.u32 $0x3F1, v2;
	_ =	sdelay $0x1  }
0x18: {  	v2 =	vadd.s32 v3, v2  }
0x19: {  	(v2sf) =	vpush v2, $0x7;
	_ =	sdelay $0x1  }
0x1a: {  	(v2sf) =	vpush v2, $0x0  }
0x1b: {  	(v2sf) =	vpush v2, $0x1;
	_ =	sdelay $0x1  }
0x1c: {  	(v2sf) =	vpush v2, $0x2;
	_ =	sdelay $0x1  }
0x1d: {  	(v2sf) =	vpush v2, $0x3  }
0x1e: {  	(v2sf) =	vpush v2, $0x4;
	_ =	sdelay $0x2  }
0x1f: {  	(v2sf) =	vpush v2, $0xC  }
0x20: {  	(v2sf) =	vpush v2, $0x8;
	_ =	sdelay $0x2  }
0x21: {  	s21 =	spop (v2sf)  }
0x22: {  	(v2sf) =	vpush v2, $0xD;
	s22 =	smulhi.u32 $0x14F8B589, s21;
	s0 =	sshra.s32 s21, $0x1F  }
0x23: {  	s23 =	spop (v2sf);
	s0 =	smul.u32 $0x14F8B589, s0  }
0x24: {  	(v2sf) =	vpush v2, $0xE;
	s24 =	spop (v2sf);
	s2 =	smulhi.u32 $0x14F8B589, s23  }
0x25: {  	(v2sf) =	vpush v2, $0x9;
	s7 =	sshra.s32 s23, $0x1F;
	s5 =	smulhi.u32 $0x14F8B589, s24  }
0x26: {  	s6 =	spop (v2sf);
	s7 =	smul.u32 $0x14F8B589, s7  }
0x27: {  	s4 =	sshra.s32 s24, $0x1F;
	s9 =	smulhi.u32 $0x14F8B589, s6  }
0x28: {  	(v2sf) =	vpush v2, $0xA;
	s6 =	sshra.s32 s6, $0x1F;
	s4 =	smul.u32 $0x14F8B589, s4;
	s15 =	spop (v2sf)  }
0x29: {  	s14 =	sadd.s32 s0, s22;
	s25 =	smul.u32 $0x14F8B589, s6;
	s26 =	spop (v2sf)  }
0x2a: {  	s8 =	sshra.s32 s15, $0x1F;
	s15 =	smulhi.u32 $0x14F8B589, s15;
	s2 =	sadd.s32 s7, s2  }
0x2b: {  	(v2sf) =	vpush v2, $0xF;
	s16 =	sshra.s32 s26, $0x1F;
	s4 =	sadd.s32 s4, s5;
	s6 =	smul.u32 $0x14F8B589, s8  }
0x2c: {  	s17 =	spop (v2sf);
	s1 =	smulhi.u32 $0x14F8B589, s26;
	s7 =	sshra.s32 s2, $0x1F  }
0x2d: {  	(v2sf) =	vpush v2, $0xB;
	s5 =	smul.u32 $0x14F8B589, s16;
	s10 =	sshra.s32 s4, $0xD;
	s18 =	spop (v2sf)  }
0x2e: {  	s16 =	sshra.s32 s4, $0x1F;
	s19 =	sshra.s32 s17, $0x1F;
	s12 =	smulhi.u32 $0x14F8B589, s17  }
0x2f: {  	s0 =	sadd.s32 s25, s9;
	s20 =	sshrl.u32 s4, $0x1F;
	s21 =	smulhi.u32 $0x14F8B589, s18  }
0x30: {  	(v2sf) =	vpush v2, $0x6;
	[dreg:$0x9] =	wrdreg s10;
	s11 =	smul.u32 $0x14F8B589, s19;
	s18 =	sshra.s32 s18, $0x1F  }
0x31: {  	s22 =	spop (v2sf);
	s19 =	sshra.s32 s0, $0xD;
	s17 =	sshrl.u32 s0, $0x1F  }
0x32: {  	s6 =	sadd.s32 s6, s15;
	s23 =	smul.u32 $0x14F8B589, s18;
	s18 =	sshra.s32 s0, $0x1F  }
0x33: {  	(v2sf) =	vpush v2, $0x5;
	s31 =	smulhi.u32 $0x14F8B589, s22;
	s0 =	spop (v2sf);
	s24 =	sshra.s32 s22, $0x1F  }
0x34: {  	s29 =	sshrl.u32 s6, $0x1F;
	s22 =	spop (v2sf);
	s25 =	sshra.s32 s0, $0x1F  }
0x35: {  	s4 =	sadd.s32 s11, s12;
	s0 =	smulhi.u32 $0x14F8B589, s0;
	s28 =	sshra.s32 s22, $0x1F  }
0x36: {  	s21 =	sadd.s32 s23, s21;
	s23 =	sadd.s32 s5, s1;
	s5 =	smulhi.u32 $0x14F8B589, s22  }
0x37: {  	s10 =	sshrl.u32 s4, $0x1F;
	s15 =	smul.u32 $0x14F8B589, s28;
	s26 =	spop (v2sf)  }
0x38: {  	s4 =	sshra.s32 s4, $0xD;
	s9 =	smulhi.u32 $0x14F8B589, s26;
	s26 =	sshra.s32 s26, $0x1F  }
0x39: {  	s8 =	sshrl.u32 s21, $0x1F;
	s12 =	sshra.s32 s21, $0xD;
	s3 =	smul.u32 $0x14F8B589, s26  }
0x3a: {  	v5 =	vmov s12;
	s12 =	rddreg [dreg:$0x9];
	s11 =	spop (v2sf);
	s26 =	sshra.s32 s6, $0xD  }
0x3b: {  	v3 =	vmov s10;
	s10 =	sshra.s32 s11, $0x1F;
	s22 =	sadd.s32 s3, s9;
	s9 =	smul.u32 $0x14F8B589, s25  }
0x3c: {  	s25 =	sshra.s32 s6, $0x1F;
	s3 =	spop (v2sf);
	s6 =	sadd.s32 s15, s5  }
0x3d: {  	s5 =	sshra.s32 s14, $0x1F;
	s15 =	simm.s32 $0x40;
	s30 =	smulhi.u32 $0x14F8B589, s3  }
0x3e: {  	s1 =	sshra.s32 s3, $0x1F;
	s21 =	sadd.s32 s9, s0;
	s9 =	smul.u32 $0x14F8B589, s24  }
0x3f: {  	v4 =	vmov s5;
	s5 =	spop (v2sf);
	s24 =	sshra.s32 s2, $0xD;
	s0 =	smulhi.u32 $0x14F8B589, s11  }
0x40: {  	v6 =	vmov s8;
	s3 =	sshrl.u32 s2, $0x1F;
	s28 =	smulhi.u32 $0x14F8B589, s5;
	s2 =	sshra.s32 s23, $0xD;
	v7 =	vsel vm11, s24, v4  }
0x41: {  	v8 =	vmov s3;
	s11 =	sshra.s32 s6, $0xD;
	s24 =	sshrl.u32 s22, $0x1F;
	v4 =	vmov s4;
	v9 =	vsel vm10, s7, v7;
	s4 =	sadd.s32 s9, s31  }
0x42: {  	v5 =	vsel vm0, s11, v5;
	s9 =	sshra.s32 s23, $0x1F;
	s7 =	smul.u32 $0x14F8B589, s10;
	v7 =	vnsel vm11, $0x0, v8;
	s31 =	spop (v2sf);
	v8 =	vsel vm0, s12, v9  }
.LBB2_2:
0x43: {  	vm9 =	vcmask $0xF0C  }
0x44: {  	s3 =	sshrl.u32 s6, $0x1F;
	v7 =	vsel vm0, s20, v7;
	s12 =	sshra.s32 s31, $0x1F;
	s8 =	sshra.s32 s4, $0xD;
	v8 =	vsel vm9, s16, v8  }
0x45: {  	s20 =	smulhi.u32 $0x14F8B589, s31;
	s5 =	sshra.s32 s5, $0x1F;
	s10 =	sshra.s32 s21, $0xD;
	v6 =	vsel vm0, s3, v6;
	v7 =	vsel vm1, s17, v7;
	v8 =	vsel vm1, s19, v8  }
0x46: {  	s1 =	smul.u32 $0x14F8B589, s1;
	s11 =	sshrl.u32 s23, $0x1F;
	v4 =	vsel vm0, s8, v4;
	s17 =	sshra.s32 s22, $0xD;
	v7 =	vsel vm2, s29, v7;
	v8 =	vsel vm12, s18, v8  }
0x47: {  	s23 =	sshrl.u32 s21, $0x1F;
	s0 =	sadd.s32 s7, s0;
	s6 =	smul.u32 $0x14F8B589, s12;
	v4 =	vsel vm1, s10, v4;
	v5 =	vsel vm1, s17, v5;
	v8 =	vsel vm2, s26, v8  }
0x48: {  	s12 =	sshra.s32 s0, $0xD;
	s1 =	sadd.s32 s1, s30;
	s19 =	sshrl.u32 s4, $0x1F;
	v6 =	vsel vm1, s24, v6;
	v7 =	vsel vm4, s11, v7;
	v8 =	vsel vm13, s25, v8  }
0x49: {  	s5 =	smul.u32 $0x14F8B589, s5;
	s3 =	sadd.s32 s6, s20;
	v4 =	vsel vm2, s12, v4;
	s20 =	sshrl.u32 s1, $0x1F;
	v3 =	vsel vm0, s19, v3;
	v8 =	vsel vm4, s2, v8  }
0x4a: {  	s6 =	sshra.s32 s1, $0xD;
	s18 =	sshrl.u32 s3, $0x1F;
	s22 =	sshra.s32 s3, $0xD;
	v3 =	vsel vm1, s23, v3;
	v6 =	vsel vm2, s20, v6;
	v8 =	vsel vm14, s9, v8  }
0x4b: {  	s0 =	sshrl.u32 s0, $0x1F;
	s5 =	sadd.s32 s5, s28;
	s3 =	sshra.s32 s3, $0x1F;
	v5 =	vsel vm2, s6, v5;
	v7 =	vsel vm5, s18, v7;
	v8 =	vsel vm5, s22, v8  }
0x4c: {  	s26 =	sshra.s32 s5, $0xD;
	s25 =	sshrl.u32 s5, $0x1F;
	v3 =	vsel vm2, s0, v3;
	v4 =	vcombine.low v5, v4;
	v8 =	vsel vm15, s3, v8  }
0x4d: {  	s8 =	sshrl.u32 s14, $0x1F;
	s7 =	sshra.s32 s5, $0x1F;
	v3 =	vcombine.low v6, v3;
	v6 =	vsel vm6, s25, v7;
	v8 =	vsel vm6, s26, v8  }
0x4e: {  	s9 =	sshra.s32 s14, $0xD;
	v6 =	vsel vm7, s8, v6;
	v7 =	vsel vm3, s7, v8  }
0x4f: {  	v4 =	vperm.xlane v4, v0;
	v6 =	vperm.xlane v6, v1;
	v7 =	vsel vm7, s9, v7  }
0x50: {  	v3 =	vperm.xlane v3, v0;
	v5 =	vperm.xlane v7, v1;
	_ =	sdelay $0x1  }
0x51: {  	v3 =	vsel vm8, v6, v3;
	v4 =	vsel vm8, v5, v4  }
0x52: {  	v3 =	vadd.s32 v3, v4  }
0x53: {  	v3 =	vmul.u32 $0x186A0, v3;
	_ =	sdelay $0x1  }
0x54: {  	v2 =	vsub.s32 v2, v3  }
0x55: {  	vm9 =	vlt.s32 v2, $0x0;
	v3 =	vadd.s32 $0x186A0, v2  }
0x56: {  	s16 =	smov.u32 s15;
	v2 =	vsel vm9, v3, v2  }
0x57: {  	s16 =	sshra.s32 s16, $0x2;
	[tilespmem:s13+$0x80] =	vst v2  }
0x58: {  	v2 =	vld [tilespmem:s16+$0x80];
	_ =	sdelay $0x1  }
0x59: {  	v3 =	vld [tilespmem:s16+$0x0];
	_ =	sdelay $0x2  }
0x5a: {  	v2 =	vmul.u32 $0x3F1, v2;
	_ =	sdelay $0x1  }
0x5b: {  	v2 =	vadd.s32 v3, v2  }
0x5c: {  	(v2sf) =	vpush v2, $0x7;
	_ =	sdelay $0x1  }
0x5d: {  	(v2sf) =	vpush v2, $0x0  }
0x5e: {  	(v2sf) =	vpush v2, $0x1;
	_ =	sdelay $0x1  }
0x5f: {  	(v2sf) =	vpush v2, $0x2;
	_ =	sdelay $0x2  }
0x60: {  	(v2sf) =	vpush v2, $0x3;
	_ =	sdelay $0x1  }
0x61: {  	(v2sf) =	vpush v2, $0x4  }
0x62: {  	(v2sf) =	vpush v2, $0xC;
	_ =	sdelay $0x2  }
0x63: {  	(v2sf) =	vpush v2, $0x8  }
0x64: {  	s10 =	spop (v2sf)  }
0x65: {  	s11 =	smulhi.u32 $0x14F8B589, s10;
	s12 =	sshra.s32 s10, $0x1F  }
0x66: {  	(v2sf) =	vpush v2, $0xD;
	s13 =	spop (v2sf);
	s2 =	smul.u32 $0x14F8B589, s12  }
0x67: {  	(v2sf) =	vpush v2, $0xE;
	s17 =	spop (v2sf);
	s1 =	smulhi.u32 $0x14F8B589, s13  }
0x68: {  	(v2sf) =	vpush v2, $0x9;
	s0 =	sshra.s32 s13, $0x1F;
	s18 =	smulhi.u32 $0x14F8B589, s17  }
0x69: {  	s19 =	spop (v2sf);
	s28 =	smul.u32 $0x14F8B589, s0  }
0x6a: {  	p0 =	sne.s32 s15, $0x1C0;
	s4 =	sshra.s32 s17, $0x1F;
	s20 =	smulhi.u32 $0x14F8B589, s19  }
0x6b: {  	s15 =	sadd.s32 $0x40, s15;
	(v2sf) =	vpush v2, $0xA;
	s6 =	sshra.s32 s19, $0x1F;
	s21 =	smul.u32 $0x14F8B589, s4  }
0x6c: {  	s14 =	sadd.s32 s2, s11;
	s22 =	spop (v2sf);
	s6 =	smul.u32 $0x14F8B589, s6  }
0x6d: {  	s2 =	sshra.s32 s14, $0x1F;
	s8 =	sshra.s32 s22, $0x1F;
	s9 =	smulhi.u32 $0x14F8B589, s22  }
0x6e: {  	v5 =	vmov s2;
	s2 =	spop (v2sf);
	s5 =	sadd.s32 s21, s18;
	s8 =	smul.u32 $0x14F8B589, s8  }
0x6f: {  	(v2sf) =	vpush v2, $0xF;
	s23 =	sshra.s32 s2, $0x1F;
	s24 =	sshra.s32 s5, $0xD;
	s25 =	spop (v2sf)  }
0x70: {  	s31 =	sshra.s32 s5, $0x1F;
	s6 =	sadd.s32 s6, s20;
	s2 =	smulhi.u32 $0x14F8B589, s2  }
0x71: {  	s20 =	sshrl.u32 s5, $0x1F;
	s10 =	smul.u32 $0x14F8B589, s23;
	[dreg:$0x3] =	wrdreg s24  }
0x72: {  	s26 =	spop (v2sf);
	s11 =	sshra.s32 s25, $0x1F;
	s23 =	smulhi.u32 $0x14F8B589, s25  }
0x73: {  	s19 =	sshra.s32 s6, $0xD;
	s17 =	sshrl.u32 s6, $0x1F;
	s12 =	smulhi.u32 $0x14F8B589, s26  }
0x74: {  	s18 =	sshra.s32 s6, $0x1F;
	s13 =	smul.u32 $0x14F8B589, s11;
	s3 =	sshra.s32 s26, $0x1F  }
0x75: {  	(v2sf) =	vpush v2, $0xB;
	s8 =	sadd.s32 s8, s9;
	s22 =	spop (v2sf);
	s3 =	smul.u32 $0x14F8B589, s3  }
0x76: {  	(v2sf) =	vpush v2, $0x6;
	s29 =	sshrl.u32 s8, $0x1F;
	s4 =	smulhi.u32 $0x14F8B589, s22;
	s6 =	spop (v2sf)  }
0x77: {  	s11 =	sshra.s32 s22, $0x1F;
	s21 =	sshra.s32 s6, $0x1F;
	s22 =	spop (v2sf);
	(v2sf) =	vpush v2, $0x5  }
0x78: {  	s5 =	sadd.s32 s13, s23;
	s6 =	smulhi.u32 $0x14F8B589, s6;
	s24 =	sshra.s32 s22, $0x1F  }
0x79: {  	s26 =	sshrl.u32 s5, $0x1F;
	s3 =	sadd.s32 s3, s12;
	s5 =	sshra.s32 s5, $0xD  }
0x7a: {  	s9 =	smul.u32 $0x14F8B589, s21;
	s12 =	sshrl.u32 s3, $0x1F;
	s25 =	spop (v2sf)  }
0x7b: {  	s3 =	sshra.s32 s3, $0xD;
	s7 =	smulhi.u32 $0x14F8B589, s25;
	s23 =	sshra.s32 s25, $0x1F  }
0x7c: {  	v3 =	vmov s26;
	v6 =	vmov s12;
	s12 =	sadd.s32 s28, s1;
	s21 =	sadd.s32 s9, s6;
	s26 =	smul.u32 $0x14F8B589, s23  }
0x7d: {  	s9 =	sshra.s32 s12, $0x1F;
	s23 =	sadd.s32 s10, s2;
	s2 =	smulhi.u32 $0x14F8B589, s22  }
0x7e: {  	s25 =	sshra.s32 s8, $0x1F;
	s13 =	spop (v2sf);
	s10 =	smul.u32 $0x14F8B589, s24  }
0x7f: {  	s0 =	smulhi.u32 $0x14F8B589, s13;
	s22 =	sadd.s32 s26, s7;
	s26 =	sshra.s32 s8, $0xD  }
0x80: {  	s6 =	sadd.s32 s10, s2;
	s10 =	smul.u32 $0x14F8B589, s11;
	s11 =	sshra.s32 s12, $0xD  }
0x81: {  	s8 =	sshrl.u32 s12, $0x1F;
	s2 =	sshra.s32 s23, $0xD;
	s12 =	sshra.s32 s13, $0x1F  }
.Ltmp0:
0x82: {  	s13 =	smov.u32 s16;
	s16 =	smov.u32 s31;
	(pc) =	sbr.rel @p0 .LBB2_2-.Ltmp0, $4  }
0x83: {  	v5 =	vsel vm11, s11, v5;
	s11 =	sshra.s32 s6, $0xD;
	s7 =	smul.u32 $0x14F8B589, s12;
	s12 =	rddreg [dreg:$0x3]  }
0x84: {  	v9 =	vsel vm10, s9, v5;
	s9 =	sshra.s32 s23, $0x1F;
	s4 =	sadd.s32 s10, s4;
	s24 =	spop (v2sf)  }
0x85: {  	v4 =	vmov s5;
	v8 =	vmov s3;
	v7 =	vmov s8;
	s1 =	sshra.s32 s24, $0x1F;
	s30 =	smulhi.u32 $0x14F8B589, s24;
	s5 =	spop (v2sf)  }
0x86: {  	v7 =	vnsel vm11, $0x0, v7;
	v5 =	vsel vm0, s11, v8;
	v8 =	vsel vm0, s12, v9;
	s24 =	sshrl.u32 s22, $0x1F;
	s28 =	smulhi.u32 $0x14F8B589, s5;
	s31 =	spop (v2sf)  }
0x87: {  	vm9 =	vcmask $0xF0C  }
0x88: {  	s3 =	sshra.s32 s31, $0x1F;
	s8 =	smulhi.u32 $0x14F8B589, s31;
	s6 =	sshrl.u32 s6, $0x1F;
	v8 =	vsel vm9, s16, v8  }
0x89: {  	v7 =	vsel vm0, s20, v7;
	s0 =	sadd.s32 s7, s0;
	s1 =	smul.u32 $0x14F8B589, s1;
	s31 =	sshra.s32 s4, $0xD;
	v6 =	vsel vm0, s6, v6;
	v8 =	vsel vm1, s19, v8  }
0x8a: {  	s5 =	sshra.s32 s5, $0x1F;
	s11 =	sshra.s32 s22, $0xD;
	s15 =	sshrl.u32 s4, $0x1F;
	v7 =	vsel vm1, s17, v7;
	v4 =	vsel vm0, s31, v4;
	v8 =	vsel vm12, s18, v8  }
0x8b: {  	s7 =	sshra.s32 s21, $0xD;
	s3 =	smul.u32 $0x14F8B589, s3;
	s10 =	sshra.s32 s0, $0xD;
	v5 =	vsel vm1, s11, v5;
	v3 =	vsel vm0, s15, v3;
	v8 =	vsel vm2, s26, v8  }
0x8c: {  	s5 =	smul.u32 $0x14F8B589, s5;
	s0 =	sshrl.u32 s0, $0x1F;
	v7 =	vsel vm2, s29, v7;
	s1 =	sadd.s32 s1, s30;
	v4 =	vsel vm1, s7, v4;
	v8 =	vsel vm13, s25, v8  }
0x8d: {  	v6 =	vsel vm1, s24, v6;
	s3 =	sadd.s32 s3, s8;
	s8 =	sshrl.u32 s23, $0x1F;
	v4 =	vsel vm2, s10, v4;
	s18 =	sshrl.u32 s21, $0x1F;
	v8 =	vsel vm4, s2, v8  }
0x8e: {  	s19 =	sshrl.u32 s1, $0x1F;
	s1 =	sshra.s32 s1, $0xD;
	v7 =	vsel vm4, s8, v7;
	s16 =	sshra.s32 s3, $0xD;
	v3 =	vsel vm1, s18, v3;
	v8 =	vsel vm14, s9, v8  }
0x8f: {  	s17 =	sadd.s32 s5, s28;
	s12 =	sshrl.u32 s3, $0x1F;
	s3 =	sshra.s32 s3, $0x1F;
	v6 =	vsel vm2, s19, v6;
	v5 =	vsel vm2, s1, v5;
	v8 =	vsel vm5, s16, v8  }
0x90: {  	s20 =	sshra.s32 s17, $0xD;
	s21 =	sshrl.u32 s17, $0x1F;
	v7 =	vsel vm5, s12, v7;
	v3 =	vsel vm2, s0, v3;
	v8 =	vsel vm15, s3, v8  }
0x91: {  	s23 =	sshrl.u32 s14, $0x1F;
	s22 =	sshra.s32 s17, $0x1F;
	v4 =	vcombine.low v5, v4;
	v7 =	vsel vm6, s21, v7;
	v8 =	vsel vm6, s20, v8  }
0x92: {  	s24 =	sshra.s32 s14, $0xD;
	v3 =	vcombine.low v6, v3;
	v7 =	vsel vm7, s23, v7;
	v61 =	vsel vm3, s22, v8  }
0x93: {  	v4 =	vperm.xlane v4, v0;
	v63 =	vperm.xlane v7, v1;
	v62 =	vsel vm7, s24, v61  }
0x94: {  	v3 =	vperm.xlane v3, v0;
	v5 =	vperm.xlane v62, v1;
	_ =	sdelay $0x1  }
0x95: {  	v3 =	vsel vm8, v63, v3;
	v4 =	vsel vm8, v5, v4  }
0x96: {  	v3 =	vadd.s32 v3, v4  }
0x97: {  	v3 =	vmul.u32 $0x186A0, v3;
	_ =	sdelay $0x1  }
0x98: {  	v2 =	vsub.s32 v2, v3  }
0x99: {  	vm9 =	vlt.s32 v2, $0x0;
	v3 =	vadd.s32 $0x186A0, v2  }
0x9a: {  	s28 =	simm.s32 $0x1;
	v2 =	vsel vm9, v3, v2  }
0x9b: {  	s26 =	simm.s32 $0x100;
	s25 =	rddreg [dreg:$0x1];
	s2 =	simm.s32 $0x80;
	[tilespmem:s13+$0x80] =	vst v2  }
0x9c: {  	[tilespmem:s26], [sflag:$0x1] =	stream.indirect.gather [hbm4b:s25+s2], $0x80, s2, s2, $0xb8;
	[tilespmem:$0x4100] =	vst v63  }
0x9d: {  	_ =	swait.ge [sflag:s28], $0x4000  }
0x9e: {  	s1 =	simm.s32 $0x2;
	[sflag:s28] =	ssyncset.done $0x0  }
0x9f: {  	s3 =	simm.s32 $0x0;
	s29 =	rddreg [dreg:$0x6];
	[sflag:s28] =	ssyncadd.s32 $0xFFFFC000  }
0xa0: {  	[hbm4b:s29+s3] =	stream.linear.scatter [tilespmem:s26], [sflag:$0x2], $0x4000, $0x38;
	[tilespmem:$0x4100] =	vst v63  }
0xa1: {  	_ =	swait.ge [sflag:s1], $0x4000  }
0xa2: {  	s30 =	rddreg [dreg:$0x8]  }
0xa3: {  	s31 =	rddreg [dreg:$0x7];
	s4 =	sadd.s32 $0x1, s30  }
0xa4: {  	p0 =	sne.s32 s4, s31  }
.Ltmp1:
0xa5: {  	_ = 	snop;
	(pc) =	sbr.rel @p0 .LBB2_1-.Ltmp1, $3  }
0xa6: {  	_ =	sdelay $0x1  }
0xa7: {  	[sflag:s1] =	ssyncset.done $0x0  }
0xa8: {  	[sflag:s1] =	ssyncadd.s32 $0xFFFFC000  }
0xa9: {  	_ =	sfence.sel $0x180000  }
0xaa: {  	[bflag:$0x0] =	sbarrier.arrive $0xFFFF  }
0xab: {  	_ =	strace $0x9000004D  }
0xac: {  	s0 =	stileid.u32;
	[bflag:$0x2] =	sbarrier.arrive $0xFFFF  }
0xad: {  	p0 =	sne.s32 s0, $0x0;
	s0 =	rddreg [dreg:$0x2]  }
0xae: {  	s0 =	sadd.s32 @!p0 $0x100000, s0  }
0xaf: {  	[sflag:s0] =	ssyncadd.tile.s32 @!p0 $0x1;
	_ =	shalt  }
.Lfunc_end2:
_tile_overlayer_lowered:
.L_overlay_start_2:
0xb0: {  	(tag) =	ssettag $0x2  }
0xb1: {  	s0 =	rddreg [dreg:$0x0];
	s2 =	stileid.u32  }
0xb2: {  	s1 =	rddreg [dreg:$0x1];
	p0 =	sne.s32 s2, $0x0  }
0xb3: {  	s3 =	rddreg [dreg:$0x2];
	[bflag:$0x3] =	sbarrier.arrive $0xFFFF;
	s2 =	simm.s32 @!p0 $0x1C02  }
0xb4: {  	[timem:s3], [sflag:s2] =	dma.local @!p0 [hbm:s0], s1  }
0xb5: {  	s0 =	simm.s32 @!p0 $0x2  }
0xb6: {  	_ =	swait.ge @!p0 [sflag:s0], s1  }
0xb7: {  	s1 =	ssub.s32 @!p0 $0x0, s1;
	[sflag:s0] =	ssyncset.done @!p0 $0x0  }
0xb8: {  	[sflag:s0] =	ssyncadd.s32 @!p0 s1  }
0xb9: {  	[bflag:$0x3] =	sbarrier.arrive $0xFFFF  }
0xba: {  	_ =	shalt  }

// kernel: kernel.19.cloned.1.call-start
scs
__scs_entry_jumppad:
0x0: {  	(pc) =	sbr.rel $0x88, $3  }
0x1: {  	(tag) =	ssettag $0x0;
	lr =	simm.s32 $0x1  }
0x2: {  	[smem:$0x3F9E] =	sst lr;
	_ =	strace $0xD0000000  }
0x3: {  	_ = 	snop  }
0x4: {  	_ = 	snop  }
0x5: {  	_ = 	snop  }
0x6: {  	_ = 	snop  }
0x7: {  	_ = 	snop  }
__scs_overlays_trampoline_lowered:
0x8: {  	[smem:$0x3FAD] =	sst s0  }
0x9: {  	[smem:$0x3FAE] =	sst s1  }
0xa: {  	[smem:$0x3FAF] =	sst s2  }
0xb: {  	[smem:$0x3FB0] =	sst s3  }
0xc: {  	[smem:$0x3FB1] =	sst s4  }
0xd: {  	[smem:$0x3FB2] =	sst s5  }
0xe: {  	[smem:$0x3FB3] =	sst s6  }
0xf: {  	[smem:$0x3FB4] =	sst s7  }
0x10: {  	[smem:$0x3FB5] =	sst s8  }
0x11: {  	[smem:$0x3FB6] =	sst s9;
	s0 =	simm.s32 @!p0 $0x0  }
0x12: {  	s1 =	sld [smem:$0x3F9C];
	s0 =	simm.s32 @p0 $0x1  }
0x13: {  	[smem:$0x3FB7] =	sst s0;
	s0 =	simm.s32 @!p1 $0x0  }
0x14: {  	s2 =	sld [smem:$0x3F9B];
	s0 =	simm.s32 @p1 $0x1  }
0x15: {  	[smem:$0x3FB8] =	sst s0;
	s0 =	simm.s32 @!p2 $0x0  }
0x16: {  	s3 =	sld [smem:$0x3FDB];
	s0 =	simm.s32 @p2 $0x1  }
0x17: {  	s4 =	simm.s32 $0x1BF5;
	[smem:$0x3FBA] =	sst s0  }
0x18: {  	s0 =	sld [smem:$0x3F9D];
	_ =	swait.ge [sflag:s4], $0x0  }
0x19: {  	s7 =	sld [smem:$0x3F9E]  }
0x1a: {  	s8 =	sadd.s32 $0xFFFFE003, lr  }
0x1b: {  	s9 =	sadd.s32 $0xFFFFFEF7, lr;
	s5 =	simm.s32 $0xFFFFFFFF;
	p2 =	slt.u32 s8, $0xFFFFF086  }
0x1c: {  	p1 =	slt.u32 s9, $0xF7A;
	s5 =	simm.s32 @!p2 $0x0  }
0x1d: {  	s5 =	simm.s32 @p1 $0x1;
	p0 =	seq.s32 s7, s2  }
0x1e: {  	s7 =	smul.u32 @!p0 $0xF7A, s2;
	p2 =	seq.s32 @!p0 s5, $0x0  }
0x1f: {  	s9 =	smul.u32 $0xF7A, s1;
	s8 =	simm.s32 @!p0 $0x1BF5;
	p2 =	por !p2, p0  }
0x20: {  	[sflag:s8] =	ssyncset.s32 @!p0 $0xFFFFF086;
	s6 =	sadd.s32 @!p0 s3, s7;
	s7 =	simm.s32 @!p0 $0x108  }
0x21: {  	s3 =	sadd.s32 s3, s9;
	s6 =	sadd.s32 @!p0 $0x88, s6;
	s7 =	simm.s32 @p2 $0x1082  }
0x22: {  	[simem:s7], [sflag:s8] =	dma.local @!p0 [hbm:s6], $0xF7A  }
0x23: {  	s9 =	sor.u32 $0xD0000000, s2;
	s6 =	simm.s32 $0x108;
	_ =	swait.ge @!p0 [sflag:s8], $0x0  }
0x24: {  	s3 =	sadd.s32 $0x88, s3;
	s6 =	simm.s32 @!p1 $0x1082;
	[sflag:s4] =	ssyncset.s32 $0xFFFFF086  }
0x25: {  	[simem:s6], [sflag:s4] =	dma.local [hbm:s3], $0xF7A  }
0x26: {  	[smem:$0x3F9E] =	sst s1;
	(tag) =	ssettag s2;
	_ =	strace s9  }
0x27: {  	s1 =	sld [smem:$0x3FAE]  }
0x28: {  	s2 =	sld [smem:$0x3FAF]  }
0x29: {  	s4 =	sld [smem:$0x3FB1]  }
0x2a: {  	p0 =	seq.s32 s5, $0x0;
	s5 =	sld [smem:$0x3FB2]  }
0x2b: {  	s6 =	sld [smem:$0x3FB3]  }
0x2c: {  	s7 =	sld [smem:$0x3FB4]  }
0x2d: {  	s3 =	simm.s32 $0x108;
	s8 =	sld [smem:$0x3FB5]  }
0x2e: {  	s3 =	simm.s32 @!p0 $0x1082;
	s9 =	sld [smem:$0x3FB6]  }
0x2f: {  	lr =	sadd.s32 s0, s3;
	s0 =	sld [smem:$0x3FAD]  }
0x30: {  	s3 =	sld [smem:$0x3FB0]  }
0x31: {  	[smem:$0x3FB9] =	sst s10  }
0x32: {  	s10 =	sld [smem:$0x3FB7];
	_ =	sdelay $0x3  }
0x33: {  	p0 =	seq.s32 s10, $0x1;
	s10 =	sld [smem:$0x3FB9];
	_ =	sdelay $0x3  }
0x34: {  	[smem:$0x3FB9] =	sst s10  }
0x35: {  	s10 =	sld [smem:$0x3FB8];
	_ =	sdelay $0x3  }
0x36: {  	p1 =	seq.s32 s10, $0x1;
	s10 =	sld [smem:$0x3FB9];
	_ =	sdelay $0x3  }
0x37: {  	[smem:$0x3FB9] =	sst s10  }
0x38: {  	s10 =	sld [smem:$0x3FBA]  }
0x39: {  	_ = 	snop;
	(pc) =	sbr.ind lr, $3  }
0x3a: {  	_ = 	snop  }
0x3b: {  	_ = 	snop  }
0x3c: {  	p2 =	seq.s32 s10, $0x1;
	s10 =	sld [smem:$0x3FB9]  }
0x3d: {  	_ =	shalt  }
0x3e: {  	_ =	shalt  }
0x3f: {  	_ =	shalt  }
0x40: {  	_ =	shalt  }
0x41: {  	_ =	shalt  }
0x42: {  	_ =	shalt  }
0x43: {  	_ =	shalt  }
0x44: {  	_ =	shalt  }
0x45: {  	_ =	shalt  }
0x46: {  	_ =	shalt  }
0x47: {  	_ =	shalt  }
0x48: {  	_ =	shalt  }
0x49: {  	_ =	shalt  }
0x4a: {  	_ =	shalt  }
0x4b: {  	_ =	shalt  }
0x4c: {  	_ =	shalt  }
0x4d: {  	_ =	shalt  }
0x4e: {  	_ =	shalt  }
0x4f: {  	_ =	shalt  }
0x50: {  	_ =	shalt  }
0x51: {  	_ =	shalt  }
0x52: {  	_ =	shalt  }
0x53: {  	_ =	shalt  }
0x54: {  	_ =	shalt  }
0x55: {  	_ =	shalt  }
0x56: {  	_ =	shalt  }
0x57: {  	_ =	shalt  }
0x58: {  	_ =	shalt  }
0x59: {  	_ =	shalt  }
0x5a: {  	_ =	shalt  }
0x5b: {  	_ =	shalt  }
0x5c: {  	_ =	shalt  }
0x5d: {  	_ =	shalt  }
0x5e: {  	_ =	shalt  }
0x5f: {  	_ =	shalt  }
0x60: {  	_ =	shalt  }
0x61: {  	_ =	shalt  }
0x62: {  	_ =	shalt  }
0x63: {  	_ =	shalt  }
0x64: {  	_ =	shalt  }
0x65: {  	_ =	shalt  }
0x66: {  	_ =	shalt  }
0x67: {  	_ =	shalt  }
0x68: {  	_ =	shalt  }
0x69: {  	_ =	shalt  }
0x6a: {  	_ =	shalt  }
0x6b: {  	_ =	shalt  }
0x6c: {  	_ =	shalt  }
0x6d: {  	_ =	shalt  }
0x6e: {  	_ =	shalt  }
0x6f: {  	_ =	shalt  }
0x70: {  	_ =	shalt  }
0x71: {  	_ =	shalt  }
0x72: {  	_ =	shalt  }
0x73: {  	_ =	shalt  }
0x74: {  	_ =	shalt  }
0x75: {  	_ =	shalt  }
0x76: {  	_ =	shalt  }
0x77: {  	_ =	shalt  }
0x78: {  	_ =	shalt  }
0x79: {  	_ =	shalt  }
0x7a: {  	_ =	shalt  }
0x7b: {  	_ =	shalt  }
0x7c: {  	_ =	shalt  }
0x7d: {  	_ =	shalt  }
0x7e: {  	_ =	shalt  }
0x7f: {  	_ =	shalt  }
0x80: {  	_ =	shalt  }
0x81: {  	_ =	shalt  }
0x82: {  	_ =	shalt  }
0x83: {  	_ =	shalt  }
0x84: {  	_ =	shalt  }
0x85: {  	_ =	shalt  }
0x86: {  	_ =	shalt  }
0x87: {  	_ =	shalt  }
.Lfunc_end0:
.L_simem_size_0:
called_computation.3_lowered:
.L_overlay_start_0:
0x88: {  	s2 =	sld [smem:$0x3FD9]  }
0x89: {  	s3 =	sld [smem:$0x3FFE];
	_ =	sdelay $0x1  }
0x8a: {  	s1 =	srdreg.scid  }
0x8b: {  	s0 =	sand.u32 $0x1, s1  }
0x8c: {  	s17 =	sshll.u32 s0, $0xA;
	s2 =	sadd.s32 s3, s2  }
0x8d: {  	s2 =	sadd.s32 s2, s17  }
0x8e: {  	[smem:$0x3FC5] =	sst s2  }
0x8f: {  	_ = 	snop  }
0x90: {  	s18 =	sld [smem:$0x3FC8];
	(tm) =	ssettm $0x1  }
0x91: {  	s19 =	sld [smem:$0x3FFB];
	_ =	sdelay $0x3  }
0x92: {  	_ =	strace s19  }
0x93: {  	s2 =	sld [smem:$0x3FFC];
	_ =	sdelay $0x3  }
0x94: {  	_ =	strace s2  }
0x95: {  	s2 =	sld [smem:$0x3FFD];
	_ =	sdelay $0x3  }
0x96: {  	_ =	strace s2  }
0x97: {  	_ =	strace $0x8FFFFFFF  }
0x98: {  	s20 =	sld [smem:$0x3FDB];
	_ =	sdelay $0x1  }
0x99: {  	s4 =	simm.s32 $_scs_section_size  }
0x9a: {  	s5 =	simm.s32 $_size__tile_overlayer_lowered;
	s6 =	simm.s32 $_tile_overlayer_lowered  }
0x9b: {  	s7 =	simm.s32 $0x1BFF;
	s21 =	sshll.u32 s6, $0x1;
	s4 =	sadd.s32 s4, s20  }
0x9c: {  	s22 =	simm.s32 $0x0;
	s5 =	sshll.u32 s5, $0x1;
	s6 =	sadd.s32 s21, s4  }
0x9d: {  	[timem:s22], [sflag:s7] =	dma.local [hbm:s6], s5  }
0x9e: {  	_ =	swait.ge [sflag:s7], s5  }
0x9f: {  	s5 =	ssub.s32 $0x0, s5;
	[sflag:s7] =	ssyncset.done $0x0  }
0xa0: {  	[sflag:s7] =	ssyncadd.s32 s5;
	_ =	sdelay $0x1  }
0xa1: {  	s23 =	simm.s32 $0x1B8B  }
0xa2: {  	_ =	swait.ge [sflag:s23], $0x1  }
0xa3: {  	[sflag:s23] =	ssyncset.done $0x0  }
0xa4: {  	[sflag:s23] =	ssyncadd.s32 $0xFFFFFFFF  }
0xa5: {  	s5 =	sld [smem:$0x0]  }
0xa6: {  	s6 =	sand.u32 $0xFFFFFFFE, s1  }
0xa7: {  	p0 =	sne.s32 s1, s6  }
0xa8: {  	s6 =	sshll.u32 @p0 s6, $0xE  }
0xa9: {  	s6 =	sadd.s32 @p0 $0x11B8D, s6;
	s7 =	sshll.u32 @p0 s5, $0x11  }
0xaa: {  	s6 =	sor.u32 @p0 s7, s6  }
0xab: {  	[sflag:s6] =	ssyncadd.remote.s32 @p0 $0x1;
	_ =	sdelay $0x1  }
0xac: {  	s6 =	simm.s32 @p0 $0x1B8D  }
0xad: {  	_ =	swait.eq @p0 [sflag:s6], $0x1  }
0xae: {  	[sflag:s6] =	ssyncadd.s32 @p0 $0xFFFFFFFF  }
0xaf: {  	s7 =	sshll.u32 @!p0 s1, $0xE  }
0xb0: {  	s7 =	sor.u32 @!p0 $0x4000, s7;
	s6 =	simm.s32 @!p0 $0x1B8D  }
0xb1: {  	s5 =	sshll.u32 @!p0 s5, $0x11;
	s7 =	sadd.s32 @!p0 $0x11B8D, s7;
	_ =	swait.eq @!p0 [sflag:s6], $0x1  }
0xb2: {  	s5 =	sor.u32 @!p0 s5, s7;
	[sflag:s6] =	ssyncadd.s32 @!p0 $0xFFFFFFFF  }
0xb3: {  	s25 =	simm.s32 $0x1B8E;
	s24 =	sld [smem:$0x3FFE];
	[sflag:s5] =	ssyncadd.remote.s32 @!p0 $0x1  }
0xb4: {  	s26 =	simm.s32 $execute0_lowered;
	[smem:$0x3FD2] =	sst s25  }
0xb5: {  	s6 =	sshll.u32 s26, $0x1;
	_ =	strace $0x8000004F;
	[dreg:$0x1] =	wrdreg $0xFFFFFFFF  }
0xb6: {  	s28 =	simm.s32 $_size_execute0_lowered;
	s4 =	sadd.s32 s4, s6;
	[dreg:$0x0] =	wrdreg $0x0  }
0xb7: {  	s6 =	sshll.u32 s28, $0x1;
	[dreg:$0x2] =	wrdreg s4  }
0xb8: {  	[dreg:$0x3] =	wrdreg s6  }
0xb9: {  	[dreg:$0x4] =	wrdreg $0xC0  }
0xba: {  	_ =	task [dreg:s22], $0x5FFFF  }
0xbb: {  	[dreg:$0x1] =	wrdreg $0xFFFFFFFF  }
0xbc: {  	[dreg:$0x0] =	wrdreg $0x60  }
0xbd: {  	[dreg:$0x2] =	wrdreg s24  }
0xbe: {  	[dreg:$0x3] =	wrdreg s18  }
0xbf: {  	[dreg:$0x4] =	wrdreg $0xC  }
0xc0: {  	_ =	task.clear_ibuf [dreg:s22], $0x5FFFF;
	_ =	strace $0x9000004F  }
0xc1: {  	s29 =	simm.s32 $0xC;
	_ =	strace $0x80000051  }
0xc2: {  	_ =	swait.ge [sflag:s29], $0x1  }
0xc3: {  	[sflag:s29] =	ssyncadd.s32 $0xFFFFFFFF  }
0xc4: {  	_ =	strace $0x90000051  }
0xc5: {  	_ =	sfence  }
0xc6: {  	s30 =	sld [smem:$0x0];
	_ =	sdelay $0x2  }
0xc7: {  	s31 =	sshll.u32 s1, $0xD;
	s1 =	sshrl.u32 s1, $0x2  }
0xc8: {  	s4 =	sand.u32 $0x4000, s31;
	s1 =	sadd.s32 s1, s30  }
0xc9: {  	s0 =	sor.u32 s4, s0;
	s1 =	sshll.u32 s1, $0x11  }
0xca: {  	s0 =	sor.u32 s1, s0  }
0xcb: {  	s0 =	sadd.s32 $0x8F2B, s0  }
0xcc: {  	[sflag:s0] =	ssyncadd.remote.s32 $0x1  }
0xcd: {  	_ =	sfence.sel $0xFFFF  }
0xce: {  	[dreg:$0x0] =	wrdreg $0xFFFFFFFF;
	(pc) =	sbr.abs _section_cstart, $3  }
0xcf: {  	[dreg:$0x1] =	wrdreg $0xFFFFFFFF  }
0xd0: {  	_ =	task.clear_ibuf [dreg:s22], $0x2FFFF;
	_ =	strace $0x9FFFFFFF  }
0xd1: {  	(tm) =	ssettm $0x7FFFFFFF  }
tec
execute0_lowered:
.L_overlay_start_1:
0x0: {  	(tag) =	ssettag $0x1  }
0x1: {  	s1 =	srdreg.scid  }
0x2: {  	s0 =	rddreg [dreg:$0x0];
	s2 =	stileid.u32;
	s1 =	sand.u32 $0x1, s1  }
0x3: {  	s2 =	sshll.u32 s2, $0x8;
	s4 =	sshll.u32 s1, $0x7;
	s1 =	ssub.s32 $0x2, s1  }
0x4: {  	v0 =	vimm.s32 $0xECA86420;
	s3 =	simm.s32 $0x0;
	vm0 =	vcmask $0xB08;
	s2 =	sor.u32 s4, s2;
	s5 =	sshrl.u32 s1, $0x1  }
0x5: {  	vm1 =	vcmask $0x1310;
	vm2 =	vcmask $0x1B18;
	vm11 =	vcmask $0x300;
	[smem:$0x7FF] =	sst s3;
	s4 =	sshrl.u32 s2, $0x3;
	s1 =	ssub.s32 s1, s5  }
0x6: {  	vm4 =	vcmask $0x2320;
	vm5 =	vcmask $0x2B28;
	vm6 =	vcmask $0x3330;
	_ =	strace $0x80000050;
	s4 =	sadd.s32 s4, s0;
	s31 =	smax.u32 s1, $0x1  }
0x7: {  	vm7 =	vcmask $0x3B38;
	v1 =	vlaneseq.u32;
	vm8 =	vmmov $0xff;
	s2 =	sshll.u32 s2, $0x4;
	s29 =	sadd.s32 $0x2C00, s4;
	[dreg:$0x7] =	wrdreg s31  }
0x8: {  	vm10 =	vcmask $0x704;
	vm12 =	vcmask $0x1714;
	v0 =	vunpack.c.l.s4.s8 v0;
	s0 =	sadd.s32 s2, s0;
	s30 =	sadd.s32 $0x2A00, s4;
	[dreg:$0x4] =	wrdreg s29  }
0x9: {  	vm13 =	vcmask $0x1F1C;
	vm14 =	vcmask $0x2724;
	vm15 =	vcmask $0x2F2C;
	s1 =	simm.s32 $0x2;
	s0 =	sadd.s32 $0x22E00, s0;
	[dreg:$0x5] =	wrdreg s30  }
0xa: {  	vm3 =	vcmask $0x3734;
	v1 =	vmul.u32 $0x2, v1;
	v0 =	vunpack.c.0.s8.s32 v0;
	s2 =	simm.s32 $0x80;
	s4 =	simm.s32 $0x0;
	[dreg:$0x6] =	wrdreg s0  }
.LBB2_1:
0xb: {  	[dreg:$0x8] =	wrdreg s4  }
0xc: {  	s0 =	rddreg [dreg:$0x4]  }
0xd: {  	[tilespmem:s3], [sflag:$0x2] =	stream.linear.gather [hbm4b:s0+s3], $0x80, $0x38;
	[tilespmem:$0x4100] =	vst v63  }
0xe: {  	_ =	swait.ge [sflag:s1], $0x80  }
0xf: {  	[sflag:s1] =	ssyncset.done $0x0  }
0x10: {  	s20 =	rddreg [dreg:$0x5];
	[sflag:s1] =	ssyncadd.s32 $0xFFFFFF80  }
0x11: {  	[tilespmem:s2], [sflag:$0x2] =	stream.linear.gather [hbm4b:s20+s3], $0x80, $0x38;
	[tilespmem:$0x4100] =	vst v63  }
0x12: {  	_ =	swait.ge [sflag:s1], $0x80  }
0x13: {  	[sflag:s1] =	ssyncset.done $0x0  }
0x14: {  	s13 =	simm.s32 $0x0;
	[sflag:s1] =	ssyncadd.s32 $0xFFFFFF80  }
0x15: {  	v2 =	vld [tilespmem:s13+$0x80];
	_ =	sdelay $0x1  }
0x16: {  	v3 =	vld [tilespmem:s13+$0x0];
	_ =	sdelay $0x2  }
0x17: {  	v2 =	vmul.u32 $0x3F1, v2;
	_ =	sdelay $0x1  }
0x18: {  	v2 =	vadd.s32 v3, v2  }
0x19: {  	(v2sf) =	vpush v2, $0x7;
	_ =	sdelay $0x1  }
0x1a: {  	(v2sf) =	vpush v2, $0x0  }
0x1b: {  	(v2sf) =	vpush v2, $0x1;
	_ =	sdelay $0x1  }
0x1c: {  	(v2sf) =	vpush v2, $0x2;
	_ =	sdelay $0x1  }
0x1d: {  	(v2sf) =	vpush v2, $0x3  }
0x1e: {  	(v2sf) =	vpush v2, $0x4;
	_ =	sdelay $0x2  }
0x1f: {  	(v2sf) =	vpush v2, $0xC  }
0x20: {  	(v2sf) =	vpush v2, $0x8;
	_ =	sdelay $0x2  }
0x21: {  	s21 =	spop (v2sf)  }
0x22: {  	(v2sf) =	vpush v2, $0xD;
	s22 =	smulhi.u32 $0x14F8B589, s21;
	s0 =	sshra.s32 s21, $0x1F  }
0x23: {  	s23 =	spop (v2sf);
	s0 =	smul.u32 $0x14F8B589, s0  }
0x24: {  	(v2sf) =	vpush v2, $0xE;
	s24 =	spop (v2sf);
	s2 =	smulhi.u32 $0x14F8B589, s23  }
0x25: {  	(v2sf) =	vpush v2, $0x9;
	s7 =	sshra.s32 s23, $0x1F;
	s5 =	smulhi.u32 $0x14F8B589, s24  }
0x26: {  	s6 =	spop (v2sf);
	s7 =	smul.u32 $0x14F8B589, s7  }
0x27: {  	s4 =	sshra.s32 s24, $0x1F;
	s9 =	smulhi.u32 $0x14F8B589, s6  }
0x28: {  	(v2sf) =	vpush v2, $0xA;
	s6 =	sshra.s32 s6, $0x1F;
	s4 =	smul.u32 $0x14F8B589, s4;
	s15 =	spop (v2sf)  }
0x29: {  	s14 =	sadd.s32 s0, s22;
	s25 =	smul.u32 $0x14F8B589, s6;
	s26 =	spop (v2sf)  }
0x2a: {  	s8 =	sshra.s32 s15, $0x1F;
	s15 =	smulhi.u32 $0x14F8B589, s15;
	s2 =	sadd.s32 s7, s2  }
0x2b: {  	(v2sf) =	vpush v2, $0xF;
	s16 =	sshra.s32 s26, $0x1F;
	s4 =	sadd.s32 s4, s5;
	s6 =	smul.u32 $0x14F8B589, s8  }
0x2c: {  	s17 =	spop (v2sf);
	s1 =	smulhi.u32 $0x14F8B589, s26;
	s7 =	sshra.s32 s2, $0x1F  }
0x2d: {  	(v2sf) =	vpush v2, $0xB;
	s5 =	smul.u32 $0x14F8B589, s16;
	s10 =	sshra.s32 s4, $0xD;
	s18 =	spop (v2sf)  }
0x2e: {  	s16 =	sshra.s32 s4, $0x1F;
	s19 =	sshra.s32 s17, $0x1F;
	s12 =	smulhi.u32 $0x14F8B589, s17  }
0x2f: {  	s0 =	sadd.s32 s25, s9;
	s20 =	sshrl.u32 s4, $0x1F;
	s21 =	smulhi.u32 $0x14F8B589, s18  }
0x30: {  	(v2sf) =	vpush v2, $0x6;
	[dreg:$0x9] =	wrdreg s10;
	s11 =	smul.u32 $0x14F8B589, s19;
	s18 =	sshra.s32 s18, $0x1F  }
0x31: {  	s22 =	spop (v2sf);
	s19 =	sshra.s32 s0, $0xD;
	s17 =	sshrl.u32 s0, $0x1F  }
0x32: {  	s6 =	sadd.s32 s6, s15;
	s23 =	smul.u32 $0x14F8B589, s18;
	s18 =	sshra.s32 s0, $0x1F  }
0x33: {  	(v2sf) =	vpush v2, $0x5;
	s31 =	smulhi.u32 $0x14F8B589, s22;
	s0 =	spop (v2sf);
	s24 =	sshra.s32 s22, $0x1F  }
0x34: {  	s29 =	sshrl.u32 s6, $0x1F;
	s22 =	spop (v2sf);
	s25 =	sshra.s32 s0, $0x1F  }
0x35: {  	s4 =	sadd.s32 s11, s12;
	s0 =	smulhi.u32 $0x14F8B589, s0;
	s28 =	sshra.s32 s22, $0x1F  }
0x36: {  	s21 =	sadd.s32 s23, s21;
	s23 =	sadd.s32 s5, s1;
	s5 =	smulhi.u32 $0x14F8B589, s22  }
0x37: {  	s10 =	sshrl.u32 s4, $0x1F;
	s15 =	smul.u32 $0x14F8B589, s28;
	s26 =	spop (v2sf)  }
0x38: {  	s4 =	sshra.s32 s4, $0xD;
	s9 =	smulhi.u32 $0x14F8B589, s26;
	s26 =	sshra.s32 s26, $0x1F  }
0x39: {  	s8 =	sshrl.u32 s21, $0x1F;
	s12 =	sshra.s32 s21, $0xD;
	s3 =	smul.u32 $0x14F8B589, s26  }
0x3a: {  	v5 =	vmov s12;
	s12 =	rddreg [dreg:$0x9];
	s11 =	spop (v2sf);
	s26 =	sshra.s32 s6, $0xD  }
0x3b: {  	v3 =	vmov s10;
	s10 =	sshra.s32 s11, $0x1F;
	s22 =	sadd.s32 s3, s9;
	s9 =	smul.u32 $0x14F8B589, s25  }
0x3c: {  	s25 =	sshra.s32 s6, $0x1F;
	s3 =	spop (v2sf);
	s6 =	sadd.s32 s15, s5  }
0x3d: {  	s5 =	sshra.s32 s14, $0x1F;
	s15 =	simm.s32 $0x40;
	s30 =	smulhi.u32 $0x14F8B589, s3  }
0x3e: {  	s1 =	sshra.s32 s3, $0x1F;
	s21 =	sadd.s32 s9, s0;
	s9 =	smul.u32 $0x14F8B589, s24  }
0x3f: {  	v4 =	vmov s5;
	s5 =	spop (v2sf);
	s24 =	sshra.s32 s2, $0xD;
	s0 =	smulhi.u32 $0x14F8B589, s11  }
0x40: {  	v6 =	vmov s8;
	s3 =	sshrl.u32 s2, $0x1F;
	s28 =	smulhi.u32 $0x14F8B589, s5;
	s2 =	sshra.s32 s23, $0xD;
	v7 =	vsel vm11, s24, v4  }
0x41: {  	v8 =	vmov s3;
	s11 =	sshra.s32 s6, $0xD;
	s24 =	sshrl.u32 s22, $0x1F;
	v4 =	vmov s4;
	v9 =	vsel vm10, s7, v7;
	s4 =	sadd.s32 s9, s31  }
0x42: {  	v5 =	vsel vm0, s11, v5;
	s9 =	sshra.s32 s23, $0x1F;
	s7 =	smul.u32 $0x14F8B589, s10;
	v7 =	vnsel vm11, $0x0, v8;
	s31 =	spop (v2sf);
	v8 =	vsel vm0, s12, v9  }
.LBB2_2:
0x43: {  	vm9 =	vcmask $0xF0C  }
0x44: {  	s3 =	sshrl.u32 s6, $0x1F;
	v7 =	vsel vm0, s20, v7;
	s12 =	sshra.s32 s31, $0x1F;
	s8 =	sshra.s32 s4, $0xD;
	v8 =	vsel vm9, s16, v8  }
0x45: {  	s20 =	smulhi.u32 $0x14F8B589, s31;
	s5 =	sshra.s32 s5, $0x1F;
	s10 =	sshra.s32 s21, $0xD;
	v6 =	vsel vm0, s3, v6;
	v7 =	vsel vm1, s17, v7;
	v8 =	vsel vm1, s19, v8  }
0x46: {  	s1 =	smul.u32 $0x14F8B589, s1;
	s11 =	sshrl.u32 s23, $0x1F;
	v4 =	vsel vm0, s8, v4;
	s17 =	sshra.s32 s22, $0xD;
	v7 =	vsel vm2, s29, v7;
	v8 =	vsel vm12, s18, v8  }
0x47: {  	s23 =	sshrl.u32 s21, $0x1F;
	s0 =	sadd.s32 s7, s0;
	s6 =	smul.u32 $0x14F8B589, s12;
	v4 =	vsel vm1, s10, v4;
	v5 =	vsel vm1, s17, v5;
	v8 =	vsel vm2, s26, v8  }
0x48: {  	s12 =	sshra.s32 s0, $0xD;
	s1 =	sadd.s32 s1, s30;
	s19 =	sshrl.u32 s4, $0x1F;
	v6 =	vsel vm1, s24, v6;
	v7 =	vsel vm4, s11, v7;
	v8 =	vsel vm13, s25, v8  }
0x49: {  	s5 =	smul.u32 $0x14F8B589, s5;
	s3 =	sadd.s32 s6, s20;
	v4 =	vsel vm2, s12, v4;
	s20 =	sshrl.u32 s1, $0x1F;
	v3 =	vsel vm0, s19, v3;
	v8 =	vsel vm4, s2, v8  }
0x4a: {  	s6 =	sshra.s32 s1, $0xD;
	s18 =	sshrl.u32 s3, $0x1F;
	s22 =	sshra.s32 s3, $0xD;
	v3 =	vsel vm1, s23, v3;
	v6 =	vsel vm2, s20, v6;
	v8 =	vsel vm14, s9, v8  }
0x4b: {  	s0 =	sshrl.u32 s0, $0x1F;
	s5 =	sadd.s32 s5, s28;
	s3 =	sshra.s32 s3, $0x1F;
	v5 =	vsel vm2, s6, v5;
	v7 =	vsel vm5, s18, v7;
	v8 =	vsel vm5, s22, v8  }
0x4c: {  	s26 =	sshra.s32 s5, $0xD;
	s25 =	sshrl.u32 s5, $0x1F;
	v3 =	vsel vm2, s0, v3;
	v4 =	vcombine.low v5, v4;
	v8 =	vsel vm15, s3, v8  }
0x4d: {  	s8 =	sshrl.u32 s14, $0x1F;
	s7 =	sshra.s32 s5, $0x1F;
	v3 =	vcombine.low v6, v3;
	v6 =	vsel vm6, s25, v7;
	v8 =	vsel vm6, s26, v8  }
0x4e: {  	s9 =	sshra.s32 s14, $0xD;
	v6 =	vsel vm7, s8, v6;
	v7 =	vsel vm3, s7, v8  }
0x4f: {  	v4 =	vperm.xlane v4, v0;
	v6 =	vperm.xlane v6, v1;
	v7 =	vsel vm7, s9, v7  }
0x50: {  	v3 =	vperm.xlane v3, v0;
	v5 =	vperm.xlane v7, v1;
	_ =	sdelay $0x1  }
0x51: {  	v3 =	vsel vm8, v6, v3;
	v4 =	vsel vm8, v5, v4  }
0x52: {  	v3 =	vadd.s32 v3, v4  }
0x53: {  	v3 =	vmul.u32 $0x186A0, v3;
	_ =	sdelay $0x1  }
0x54: {  	v2 =	vsub.s32 v2, v3  }
0x55: {  	vm9 =	vlt.s32 v2, $0x0;
	v3 =	vadd.s32 $0x186A0, v2  }
0x56: {  	s16 =	smov.u32 s15;
	v2 =	vsel vm9, v3, v2  }
0x57: {  	s16 =	sshra.s32 s16, $0x2;
	[tilespmem:s13+$0x80] =	vst v2  }
0x58: {  	v2 =	vld [tilespmem:s16+$0x80];
	_ =	sdelay $0x1  }
0x59: {  	v3 =	vld [tilespmem:s16+$0x0];
	_ =	sdelay $0x2  }
0x5a: {  	v2 =	vmul.u32 $0x3F1, v2;
	_ =	sdelay $0x1  }
0x5b: {  	v2 =	vadd.s32 v3, v2  }
0x5c: {  	(v2sf) =	vpush v2, $0x7;
	_ =	sdelay $0x1  }
0x5d: {  	(v2sf) =	vpush v2, $0x0  }
0x5e: {  	(v2sf) =	vpush v2, $0x1;
	_ =	sdelay $0x1  }
0x5f: {  	(v2sf) =	vpush v2, $0x2;
	_ =	sdelay $0x2  }
0x60: {  	(v2sf) =	vpush v2, $0x3;
	_ =	sdelay $0x1  }
0x61: {  	(v2sf) =	vpush v2, $0x4  }
0x62: {  	(v2sf) =	vpush v2, $0xC;
	_ =	sdelay $0x2  }
0x63: {  	(v2sf) =	vpush v2, $0x8  }
0x64: {  	s10 =	spop (v2sf)  }
0x65: {  	s11 =	smulhi.u32 $0x14F8B589, s10;
	s12 =	sshra.s32 s10, $0x1F  }
0x66: {  	(v2sf) =	vpush v2, $0xD;
	s13 =	spop (v2sf);
	s2 =	smul.u32 $0x14F8B589, s12  }
0x67: {  	(v2sf) =	vpush v2, $0xE;
	s17 =	spop (v2sf);
	s1 =	smulhi.u32 $0x14F8B589, s13  }
0x68: {  	(v2sf) =	vpush v2, $0x9;
	s0 =	sshra.s32 s13, $0x1F;
	s18 =	smulhi.u32 $0x14F8B589, s17  }
0x69: {  	s19 =	spop (v2sf);
	s28 =	smul.u32 $0x14F8B589, s0  }
0x6a: {  	p0 =	sne.s32 s15, $0x1C0;
	s4 =	sshra.s32 s17, $0x1F;
	s20 =	smulhi.u32 $0x14F8B589, s19  }
0x6b: {  	s15 =	sadd.s32 $0x40, s15;
	(v2sf) =	vpush v2, $0xA;
	s6 =	sshra.s32 s19, $0x1F;
	s21 =	smul.u32 $0x14F8B589, s4  }
0x6c: {  	s14 =	sadd.s32 s2, s11;
	s22 =	spop (v2sf);
	s6 =	smul.u32 $0x14F8B589, s6  }
0x6d: {  	s2 =	sshra.s32 s14, $0x1F;
	s8 =	sshra.s32 s22, $0x1F;
	s9 =	smulhi.u32 $0x14F8B589, s22  }
0x6e: {  	v5 =	vmov s2;
	s2 =	spop (v2sf);
	s5 =	sadd.s32 s21, s18;
	s8 =	smul.u32 $0x14F8B589, s8  }
0x6f: {  	(v2sf) =	vpush v2, $0xF;
	s23 =	sshra.s32 s2, $0x1F;
	s24 =	sshra.s32 s5, $0xD;
	s25 =	spop (v2sf)  }
0x70: {  	s31 =	sshra.s32 s5, $0x1F;
	s6 =	sadd.s32 s6, s20;
	s2 =	smulhi.u32 $0x14F8B589, s2  }
0x71: {  	s20 =	sshrl.u32 s5, $0x1F;
	s10 =	smul.u32 $0x14F8B589, s23;
	[dreg:$0x3] =	wrdreg s24  }
0x72: {  	s26 =	spop (v2sf);
	s11 =	sshra.s32 s25, $0x1F;
	s23 =	smulhi.u32 $0x14F8B589, s25  }
0x73: {  	s19 =	sshra.s32 s6, $0xD;
	s17 =	sshrl.u32 s6, $0x1F;
	s12 =	smulhi.u32 $0x14F8B589, s26  }
0x74: {  	s18 =	sshra.s32 s6, $0x1F;
	s13 =	smul.u32 $0x14F8B589, s11;
	s3 =	sshra.s32 s26, $0x1F  }
0x75: {  	(v2sf) =	vpush v2, $0xB;
	s8 =	sadd.s32 s8, s9;
	s22 =	spop (v2sf);
	s3 =	smul.u32 $0x14F8B589, s3  }
0x76: {  	(v2sf) =	vpush v2, $0x6;
	s29 =	sshrl.u32 s8, $0x1F;
	s4 =	smulhi.u32 $0x14F8B589, s22;
	s6 =	spop (v2sf)  }
0x77: {  	s11 =	sshra.s32 s22, $0x1F;
	s21 =	sshra.s32 s6, $0x1F;
	s22 =	spop (v2sf);
	(v2sf) =	vpush v2, $0x5  }
0x78: {  	s5 =	sadd.s32 s13, s23;
	s6 =	smulhi.u32 $0x14F8B589, s6;
	s24 =	sshra.s32 s22, $0x1F  }
0x79: {  	s26 =	sshrl.u32 s5, $0x1F;
	s3 =	sadd.s32 s3, s12;
	s5 =	sshra.s32 s5, $0xD  }
0x7a: {  	s9 =	smul.u32 $0x14F8B589, s21;
	s12 =	sshrl.u32 s3, $0x1F;
	s25 =	spop (v2sf)  }
0x7b: {  	s3 =	sshra.s32 s3, $0xD;
	s7 =	smulhi.u32 $0x14F8B589, s25;
	s23 =	sshra.s32 s25, $0x1F  }
0x7c: {  	v3 =	vmov s26;
	v6 =	vmov s12;
	s12 =	sadd.s32 s28, s1;
	s21 =	sadd.s32 s9, s6;
	s26 =	smul.u32 $0x14F8B589, s23  }
0x7d: {  	s9 =	sshra.s32 s12, $0x1F;
	s23 =	sadd.s32 s10, s2;
	s2 =	smulhi.u32 $0x14F8B589, s22  }
0x7e: {  	s25 =	sshra.s32 s8, $0x1F;
	s13 =	spop (v2sf);
	s10 =	smul.u32 $0x14F8B589, s24  }
0x7f: {  	s0 =	smulhi.u32 $0x14F8B589, s13;
	s22 =	sadd.s32 s26, s7;
	s26 =	sshra.s32 s8, $0xD  }
0x80: {  	s6 =	sadd.s32 s10, s2;
	s10 =	smul.u32 $0x14F8B589, s11;
	s11 =	sshra.s32 s12, $0xD  }
0x81: {  	s8 =	sshrl.u32 s12, $0x1F;
	s2 =	sshra.s32 s23, $0xD;
	s12 =	sshra.s32 s13, $0x1F  }
.Ltmp0:
0x82: {  	s13 =	smov.u32 s16;
	s16 =	smov.u32 s31;
	(pc) =	sbr.rel @p0 .LBB2_2-.Ltmp0, $4  }
0x83: {  	v5 =	vsel vm11, s11, v5;
	s11 =	sshra.s32 s6, $0xD;
	s7 =	smul.u32 $0x14F8B589, s12;
	s12 =	rddreg [dreg:$0x3]  }
0x84: {  	v9 =	vsel vm10, s9, v5;
	s9 =	sshra.s32 s23, $0x1F;
	s4 =	sadd.s32 s10, s4;
	s24 =	spop (v2sf)  }
0x85: {  	v4 =	vmov s5;
	v8 =	vmov s3;
	v7 =	vmov s8;
	s1 =	sshra.s32 s24, $0x1F;
	s30 =	smulhi.u32 $0x14F8B589, s24;
	s5 =	spop (v2sf)  }
0x86: {  	v7 =	vnsel vm11, $0x0, v7;
	v5 =	vsel vm0, s11, v8;
	v8 =	vsel vm0, s12, v9;
	s24 =	sshrl.u32 s22, $0x1F;
	s28 =	smulhi.u32 $0x14F8B589, s5;
	s31 =	spop (v2sf)  }
0x87: {  	vm9 =	vcmask $0xF0C  }
0x88: {  	s3 =	sshra.s32 s31, $0x1F;
	s8 =	smulhi.u32 $0x14F8B589, s31;
	s6 =	sshrl.u32 s6, $0x1F;
	v8 =	vsel vm9, s16, v8  }
0x89: {  	v7 =	vsel vm0, s20, v7;
	s0 =	sadd.s32 s7, s0;
	s1 =	smul.u32 $0x14F8B589, s1;
	s31 =	sshra.s32 s4, $0xD;
	v6 =	vsel vm0, s6, v6;
	v8 =	vsel vm1, s19, v8  }
0x8a: {  	s5 =	sshra.s32 s5, $0x1F;
	s11 =	sshra.s32 s22, $0xD;
	s15 =	sshrl.u32 s4, $0x1F;
	v7 =	vsel vm1, s17, v7;
	v4 =	vsel vm0, s31, v4;
	v8 =	vsel vm12, s18, v8  }
0x8b: {  	s7 =	sshra.s32 s21, $0xD;
	s3 =	smul.u32 $0x14F8B589, s3;
	s10 =	sshra.s32 s0, $0xD;
	v5 =	vsel vm1, s11, v5;
	v3 =	vsel vm0, s15, v3;
	v8 =	vsel vm2, s26, v8  }
0x8c: {  	s5 =	smul.u32 $0x14F8B589, s5;
	s0 =	sshrl.u32 s0, $0x1F;
	v7 =	vsel vm2, s29, v7;
	s1 =	sadd.s32 s1, s30;
	v4 =	vsel vm1, s7, v4;
	v8 =	vsel vm13, s25, v8  }
0x8d: {  	v6 =	vsel vm1, s24, v6;
	s3 =	sadd.s32 s3, s8;
	s8 =	sshrl.u32 s23, $0x1F;
	v4 =	vsel vm2, s10, v4;
	s18 =	sshrl.u32 s21, $0x1F;
	v8 =	vsel vm4, s2, v8  }
0x8e: {  	s19 =	sshrl.u32 s1, $0x1F;
	s1 =	sshra.s32 s1, $0xD;
	v7 =	vsel vm4, s8, v7;
	s16 =	sshra.s32 s3, $0xD;
	v3 =	vsel vm1, s18, v3;
	v8 =	vsel vm14, s9, v8  }
0x8f: {  	s17 =	sadd.s32 s5, s28;
	s12 =	sshrl.u32 s3, $0x1F;
	s3 =	sshra.s32 s3, $0x1F;
	v6 =	vsel vm2, s19, v6;
	v5 =	vsel vm2, s1, v5;
	v8 =	vsel vm5, s16, v8  }
0x90: {  	s20 =	sshra.s32 s17, $0xD;
	s21 =	sshrl.u32 s17, $0x1F;
	v7 =	vsel vm5, s12, v7;
	v3 =	vsel vm2, s0, v3;
	v8 =	vsel vm15, s3, v8  }
0x91: {  	s23 =	sshrl.u32 s14, $0x1F;
	s22 =	sshra.s32 s17, $0x1F;
	v4 =	vcombine.low v5, v4;
	v7 =	vsel vm6, s21, v7;
	v8 =	vsel vm6, s20, v8  }
0x92: {  	s24 =	sshra.s32 s14, $0xD;
	v3 =	vcombine.low v6, v3;
	v7 =	vsel vm7, s23, v7;
	v61 =	vsel vm3, s22, v8  }
0x93: {  	v4 =	vperm.xlane v4, v0;
	v63 =	vperm.xlane v7, v1;
	v62 =	vsel vm7, s24, v61  }
0x94: {  	v3 =	vperm.xlane v3, v0;
	v5 =	vperm.xlane v62, v1;
	_ =	sdelay $0x1  }
0x95: {  	v3 =	vsel vm8, v63, v3;
	v4 =	vsel vm8, v5, v4  }
0x96: {  	v3 =	vadd.s32 v3, v4  }
0x97: {  	v3 =	vmul.u32 $0x186A0, v3;
	_ =	sdelay $0x1  }
0x98: {  	v2 =	vsub.s32 v2, v3  }
0x99: {  	vm9 =	vlt.s32 v2, $0x0;
	v3 =	vadd.s32 $0x186A0, v2  }
0x9a: {  	s28 =	simm.s32 $0x1;
	v2 =	vsel vm9, v3, v2  }
0x9b: {  	s26 =	simm.s32 $0x100;
	s25 =	rddreg [dreg:$0x1];
	s2 =	simm.s32 $0x80;
	[tilespmem:s13+$0x80] =	vst v2  }
0x9c: {  	[tilespmem:s26], [sflag:$0x1] =	stream.indirect.gather [hbm4b:s25+s2], $0x80, s2, s2, $0xb8;
	[tilespmem:$0x4100] =	vst v63  }
0x9d: {  	_ =	swait.ge [sflag:s28], $0x4000  }
0x9e: {  	s1 =	simm.s32 $0x2;
	[sflag:s28] =	ssyncset.done $0x0  }
0x9f: {  	s3 =	simm.s32 $0x0;
	s29 =	rddreg [dreg:$0x6];
	[sflag:s28] =	ssyncadd.s32 $0xFFFFC000  }
0xa0: {  	[hbm4b:s29+s3] =	stream.linear.scatter [tilespmem:s26], [sflag:$0x2], $0x4000, $0x38;
	[tilespmem:$0x4100] =	vst v63  }
0xa1: {  	_ =	swait.ge [sflag:s1], $0x4000  }
0xa2: {  	s30 =	rddreg [dreg:$0x8]  }
0xa3: {  	s31 =	rddreg [dreg:$0x7];
	s4 =	sadd.s32 $0x1, s30  }
0xa4: {  	p0 =	sne.s32 s4, s31  }
.Ltmp1:
0xa5: {  	_ = 	snop;
	(pc) =	sbr.rel @p0 .LBB2_1-.Ltmp1, $3  }
0xa6: {  	_ =	sdelay $0x1  }
0xa7: {  	[sflag:s1] =	ssyncset.done $0x0  }
0xa8: {  	[sflag:s1] =	ssyncadd.s32 $0xFFFFC000  }
0xa9: {  	_ =	sfence.sel $0x180000  }
0xaa: {  	[bflag:$0x0] =	sbarrier.arrive $0xFFFF  }
0xab: {  	_ =	strace $0x90000050  }
0xac: {  	s0 =	stileid.u32;
	[bflag:$0x2] =	sbarrier.arrive $0xFFFF  }
0xad: {  	p0 =	sne.s32 s0, $0x0;
	s0 =	rddreg [dreg:$0x2]  }
0xae: {  	s0 =	sadd.s32 @!p0 $0x100000, s0  }
0xaf: {  	[sflag:s0] =	ssyncadd.tile.s32 @!p0 $0x1;
	_ =	shalt  }
.Lfunc_end2:
_tile_overlayer_lowered:
.L_overlay_start_2:
0xb0: {  	(tag) =	ssettag $0x2  }
0xb1: {  	s0 =	rddreg [dreg:$0x0];
	s2 =	stileid.u32  }
0xb2: {  	s1 =	rddreg [dreg:$0x1];
	p0 =	sne.s32 s2, $0x0  }
0xb3: {  	s3 =	rddreg [dreg:$0x2];
	[bflag:$0x3] =	sbarrier.arrive $0xFFFF;
	s2 =	simm.s32 @!p0 $0x1C02  }
0xb4: {  	[timem:s3], [sflag:s2] =	dma.local @!p0 [hbm:s0], s1  }
0xb5: {  	s0 =	simm.s32 @!p0 $0x2  }
0xb6: {  	_ =	swait.ge @!p0 [sflag:s0], s1  }
0xb7: {  	s1 =	ssub.s32 @!p0 $0x0, s1;
	[sflag:s0] =	ssyncset.done @!p0 $0x0  }
0xb8: {  	[sflag:s0] =	ssyncadd.s32 @!p0 s1  }
0xb9: {  	[bflag:$0x3] =	sbarrier.arrive $0xFFFF  }
0xba: {  	_ =	shalt  }

</sc_bundles>
